<compile_context>
chip_gen: v7x
topology: tpu7x:2x2x1
jax: 0.10.2.dev20260603
libtpu: 0.0.44.dev20260713+nightly
codegen_flags: <defaults>
</compile_context>

<pallas_src>
import functools

import jax
import jax.numpy as jnp
from jax import lax
from jax.experimental import pallas as pl
from jax.experimental.pallas import tpu as pltpu
from jax.experimental.pallas import tpu_sc as plsc

N = 10000
E = 320000
D = 128
NC = 2
NS = 16
NW = NC * NS
N_PAD = 10240
RPS = N_PAD // NS
E_W = E // NW
CH = 128
NCHUNK = (E_W + CH - 1) // CH + 1
E_WP = NCHUNK * CH
HR = 8

_MESH = plsc.VectorSubcoreMesh(core_axis_name="c", subcore_axis_name="s")


def _sc_agg_body(x_hbm, src_hbm, dst_hbm, zs_hbm, sum_out,
                 sva, svb, dva, dvb, rows_a, rows_b, sum_sh,
                 gsa, gsb, ssa, ssb, isa, isb):
    c = lax.axis_index("c")
    s = lax.axis_index("s")
    w = c * NS + s
    pltpu.sync_copy(zs_hbm, sum_sh.at[pl.ds(s * RPS, RPS)])
    pltpu.sync_copy(src_hbm.at[w, 0], sva)
    pltpu.sync_copy(dst_hbm.at[w, 0], dva)
    pltpu.sync_copy(src_hbm.at[w, 1], svb)
    pltpu.sync_copy(dst_hbm.at[w, 1], dvb)
    plsc.subcore_barrier()

    def body(i, carry):
        ga = pltpu.async_copy(x_hbm.at[sva], rows_a, gsa)
        gb = pltpu.async_copy(x_hbm.at[svb], rows_b, gsb)
        ga.wait()
        sa = pltpu.async_copy(rows_a, sum_sh.at[dva], ssa, add=True)
        pa1 = pltpu.async_copy(src_hbm.at[w, 2 * i + 2], sva, isa)
        gb.wait()
        sb = pltpu.async_copy(rows_b, sum_sh.at[dvb], ssb, add=True)
        pb1 = pltpu.async_copy(src_hbm.at[w, 2 * i + 3], svb, isb)
        sa.wait()
        pa2 = pltpu.async_copy(dst_hbm.at[w, 2 * i + 2], dva, isa)
        sb.wait()
        pb2 = pltpu.async_copy(dst_hbm.at[w, 2 * i + 3], dvb, isb)
        pa1.wait()
        pa2.wait()
        pb1.wait()
        pb2.wait()
        return carry

    lax.fori_loop(0, NCHUNK // 2, body, 0)
    plsc.subcore_barrier()
    strip = pl.ds(s * RPS, RPS)
    pltpu.sync_copy(sum_sh.at[strip], sum_out.at[c, strip])


_sc_agg = pl.kernel(
    _sc_agg_body,
    out_type=jax.ShapeDtypeStruct((NC, N_PAD, D), jnp.float32),
    mesh=_MESH,
    scratch_types=[
        pltpu.VMEM((CH,), jnp.int32),
        pltpu.VMEM((CH,), jnp.int32),
        pltpu.VMEM((CH,), jnp.int32),
        pltpu.VMEM((CH,), jnp.int32),
        pltpu.VMEM((CH, D), jnp.float32),
        pltpu.VMEM((CH, D), jnp.float32),
        pltpu.VMEM_SHARED((N_PAD, D), jnp.float32),
        pltpu.SemaphoreType.DMA,
        pltpu.SemaphoreType.DMA,
        pltpu.SemaphoreType.DMA,
        pltpu.SemaphoreType.DMA,
        pltpu.SemaphoreType.DMA,
        pltpu.SemaphoreType.DMA,
    ],
)


def _sc_cnt_body(dst_hbm, zh_hbm, cnt_out,
                      dall_v, hist_v, tmp_v, red_v, stage_sh):
    c = lax.axis_index("c")
    s = lax.axis_index("s")
    w = c * NS + s
    pltpu.sync_copy(zh_hbm, hist_v)
    pltpu.sync_copy(dst_hbm.at[w], dall_v)
    ones16 = jnp.full((16,), 1.0, jnp.float32)

    def grp(g, cc):
        plsc.addupdate_scatter(hist_v, [dall_v[pl.ds(g * 16, 16)]], ones16)
        return cc

    lax.fori_loop(0, E_WP // 16, grp, 0)
    pltpu.sync_copy(hist_v, stage_sh.at[s])
    plsc.subcore_barrier()
    strip = pl.ds(s * RPS, RPS)
    for r in range(NS // HR):
        pltpu.sync_copy(stage_sh.at[pl.ds(r * HR, HR), strip], tmp_v)

        def red(g, cc):
            acc = tmp_v[0, pl.ds(g * 16, 16)]
            for p in range(1, HR):
                acc = acc + tmp_v[p, pl.ds(g * 16, 16)]
            if r == 0:
                red_v[pl.ds(g * 16, 16)] = acc
            else:
                red_v[pl.ds(g * 16, 16)] = red_v[pl.ds(g * 16, 16)] + acc
            return cc

        lax.fori_loop(0, RPS // 16, red, 0)
    pltpu.sync_copy(red_v, cnt_out.at[c, strip])


_sc_cnt = pl.kernel(
    _sc_cnt_body,
    out_type=jax.ShapeDtypeStruct((NC, N_PAD), jnp.float32),
    mesh=_MESH,
    scratch_types=[
        pltpu.VMEM((E_WP,), jnp.int32),
        pltpu.VMEM((N_PAD,), jnp.float32),
        pltpu.VMEM((HR, RPS), jnp.float32),
        pltpu.VMEM((RPS,), jnp.float32),
        pltpu.VMEM_SHARED((NS, N_PAD), jnp.float32),
    ],
    compiler_params=pltpu.CompilerParams(needs_layout_passes=False),
)


def _tc_body(relu, s_ref, c_ref, x_ref, wl_ref, wr_ref, b_ref, o_ref):
    ssum = s_ref[0] + s_ref[1]
    cnt = c_ref[0] + c_ref[1]
    mean = ssum * (1.0 / jnp.maximum(cnt, 1.0))
    h = jnp.dot(mean, wl_ref[...], preferred_element_type=jnp.float32)
    h = h + jnp.dot(x_ref[...], wr_ref[...], preferred_element_type=jnp.float32)
    h = h + b_ref[...]
    if relu:
        h = jnp.maximum(h, 0.0)
    o_ref[...] = h


def _make_tc_layer(relu, block_rows=512):
    grid = (N_PAD // block_rows,)
    return pl.pallas_call(
        functools.partial(_tc_body, relu),
        grid=grid,
        in_specs=[
            pl.BlockSpec((NC, block_rows, D), lambda i: (0, i, 0)),
            pl.BlockSpec((NC, block_rows, 1), lambda i: (0, i, 0)),
            pl.BlockSpec((block_rows, D), lambda i: (i, 0)),
            pl.BlockSpec((D, D), lambda i: (0, 0)),
            pl.BlockSpec((D, D), lambda i: (0, 0)),
            pl.BlockSpec((1, D), lambda i: (0, 0)),
        ],
        out_specs=pl.BlockSpec((block_rows, D), lambda i: (i, 0)),
        out_shape=jax.ShapeDtypeStruct((N_PAD, D), jnp.float32),
    )


_tc_relu = _make_tc_layer(True)
_tc_lin = _make_tc_layer(False)


@jax.jit
def _run(features, edges, W1_l, b1, W1_r, W2_l, b2, W2_r):
    x = jnp.pad(features, ((0, N_PAD - N), (0, 0)))
    src = jnp.pad(edges[0].reshape(NW, E_W), ((0, 0), (0, E_WP - E_W)))
    dst = jnp.pad(edges[1].reshape(NW, E_W), ((0, 0), (0, E_WP - E_W)),
                  constant_values=N_PAD - 1)
    src3 = jnp.pad(src.reshape(NW, NCHUNK, CH), ((0, 0), (0, 2), (0, 0)))
    dst3 = jnp.pad(dst.reshape(NW, NCHUNK, CH), ((0, 0), (0, 2), (0, 0)))
    zs = jnp.zeros((RPS, D), jnp.float32)
    zh = jnp.zeros((N_PAD,), jnp.float32)

    cnt = _sc_cnt(dst, zh)
    cnt3 = cnt.reshape(NC, N_PAD, 1)
    sp1 = _sc_agg(x, src3, dst3, zs)
    x1 = _tc_relu(sp1, cnt3, x, W1_l.T, W1_r.T, b1.reshape(1, D))
    sp2 = _sc_agg(x1, src3, dst3, zs)
    out = _tc_lin(sp2, cnt3, x1, W2_l.T, W2_r.T, b2.reshape(1, D))
    return out[:N]


def kernel(features, edges, edges2, edge_features, W1_l, b1, W1_r, W2_l, b2, W2_r):
    return _run(features, edges, W1_l, b1, W1_r, W2_l, b2, W2_r)

# --- scband reference (transcript-rebuilt; emitter-appended) ---
"""Pipeline reference for scband-bind-node23-sageconv-62715112456263 (READ-ONLY COPY).

The authoritative reference and input builder live on the scoring server;
editing this copy changes nothing except your own understanding.
"""

import jax, jax.numpy as jnp
import numpy as np

N = 10000
E = 320000
D_IN = 128
D_HID = 128
D_OUT = 128
D_EDGE = 4


def setup_inputs(seed: int = 0) -> dict:
    key = jax.random.key(seed)
    ks = jax.random.split(key, 12)
    features = jax.random.normal(ks[0], (N, D_IN), dtype=jnp.float32)
    edges = jax.random.randint(ks[1], (2, E), 0, N, dtype=jnp.int32)
    edges2 = jax.random.randint(ks[2], (2, E), 0, N, dtype=jnp.int32)
    edge_features = jax.random.normal(ks[3], (E, D_EDGE), dtype=jnp.float32)
    # SAGEConv layer 1 params (PyG convention: lin_l on aggregated neighbors w/ bias, lin_r on root, no bias)
    s1 = 1.0 / np.sqrt(D_IN)
    W1_l = jax.random.uniform(ks[4], (D_HID, D_IN), dtype=jnp.float32, minval=-s1, maxval=s1)
    b1 = jax.random.uniform(ks[5], (D_HID,), dtype=jnp.float32, minval=-s1, maxval=s1)
    W1_r = jax.random.uniform(ks[6], (D_HID, D_IN), dtype=jnp.float32, minval=-s1, maxval=s1)
    s2 = 1.0 / np.sqrt(D_HID)
    W2_l = jax.random.uniform(ks[7], (D_OUT, D_HID), dtype=jnp.float32, minval=-s2, maxval=s2)
    b2 = jax.random.uniform(ks[8], (D_OUT,), dtype=jnp.float32, minval=-s2, maxval=s2)
    W2_r = jax.random.uniform(ks[9], (D_OUT, D_HID), dtype=jnp.float32, minval=-s2, maxval=s2)
    return {"features": features, "edges": edges, "edges2": edges2, "edge_features": edge_features,
            "W1_l": W1_l, "b1": b1, "W1_r": W1_r, "W2_l": W2_l, "b2": b2, "W2_r": W2_r}


def _sage_conv(x, edge_index, W_l, b_l, W_r):
    # PyG SAGEConv with aggr='mean': out = lin_l(mean_{j->i} x_j) + lin_r(x_i)
    src = edge_index[0]
    dst = edge_index[1]
    msgs = jnp.take(x, src, axis=0)
    summed = jax.ops.segment_sum(msgs, dst, num_segments=N)
    cnt = jax.ops.segment_sum(jnp.ones((msgs.shape[0], 1), dtype=x.dtype), dst, num_segments=N)
    mean = summed / jnp.clip(cnt, 1.0)
    return mean @ W_l.T + b_l + x @ W_r.T


def reference(features, edges, edges2, edge_features, W1_l, b1, W1_r, W2_l, b2, W2_r):
    # edges2 and edge_features are accepted by the forward signature but unused (per original model)
    x = _sage_conv(features, edges, W1_l, b1, W1_r)
    x = jax.nn.relu(x)
    # dropout p=0.0 in eval mode -> no-op
    return _sage_conv(x, edges, W2_l, b2, W2_r)

if __name__ == "__main__":
    import jax
    _d = setup_inputs()
    print(jax.jit(kernel)(*tuple(_d.values())))

</pallas_src>

<mosaic_0001>
#map = affine_map<(d0, d1) -> (0, 0)>
#map1 = affine_map<(d0, d1) -> (0)>
module attributes {stable_mosaic.version = 14 : i64} {
  func.func @_sc_cnt_body(%arg0: i32, %arg1: i32, %arg2: memref<32x10240xi32, #tpu.memory_space<hbm>>, %arg3: memref<10240xf32, #tpu.memory_space<hbm>>, %arg4: memref<2x10240xf32, #tpu.memory_space<hbm>>, %arg5: memref<10240xi32, #tpu.memory_space<vmem>>, %arg6: memref<10240xf32, #tpu.memory_space<vmem>>, %arg7: memref<8x640xf32, #tpu.memory_space<vmem>>, %arg8: memref<640xf32, #tpu.memory_space<vmem>>, %arg9: memref<16x10240xf32, #tpu.memory_space<vmem_shared>>) attributes {dimension_semantics = [#tpu.dimension_semantics<core_parallel>, #tpu.dimension_semantics<subcore_parallel>], iteration_bounds = array<i64: 2, 16>, scalar_prefetch = 0 : i64, scratch_operands = 5 : i64, tpu.core_type = #tpu.core_type<sc_vector_subcore>, window_params = [{transform_indices = #map}, {transform_indices = #map1}, {transform_indices = #map}]} {
    %mul3A = arith.constant 16 : i32
    %mul3A_0 = arith.muli %arg0, %mul3A : i32
    %add3A = arith.addi %mul3A_0, %arg1 : i32
    "tpu.region"() ({
      %run_scoped3A = tpu.sem_alloc : memref<!tpu.dma_semaphore, #tpu.memory_space<semaphore_mem>>
      tpu.enqueue_dma source(%arg3 : memref<10240xf32, #tpu.memory_space<hbm>>) target(%arg6 : memref<10240xf32, #tpu.memory_space<vmem>>) target_semaphore(%run_scoped3A : memref<!tpu.dma_semaphore, #tpu.memory_space<semaphore_mem>>)
      tpu.wait_dma2 semaphore(%run_scoped3A : memref<!tpu.dma_semaphore, #tpu.memory_space<semaphore_mem>>) src(%arg3 : memref<10240xf32, #tpu.memory_space<hbm>>) dst(%arg6 : memref<10240xf32, #tpu.memory_space<vmem>>)
      tpu.yield
    }) : () -> ()
    "tpu.region"() ({
      %run_scoped3A = tpu.sem_alloc : memref<!tpu.dma_semaphore, #tpu.memory_space<semaphore_mem>>
      %dma_start3A = arith.constant 0 : i32
      %dma_start3A_21 = tpu.memref_slice %arg2[%add3A, %dma_start3A] : memref<32x10240xi32, #tpu.memory_space<hbm>> -> memref<1x10240xi32, #tpu.memory_space<hbm>>
      %dma_start3A_22 = tpu.memref_squeeze %dma_start3A_21 : memref<1x10240xi32, #tpu.memory_space<hbm>> -> memref<10240xi32, #tpu.memory_space<hbm>>
      %dma_start3A_23 = arith.constant 0 : i32
      %dma_start3A_24 = tpu.memref_slice %arg2[%add3A, %dma_start3A_23] : memref<32x10240xi32, #tpu.memory_space<hbm>> -> memref<1x10240xi32, #tpu.memory_space<hbm>>
      %dma_start3A_25 = tpu.memref_squeeze %dma_start3A_24 : memref<1x10240xi32, #tpu.memory_space<hbm>> -> memref<10240xi32, #tpu.memory_space<hbm>>
      tpu.enqueue_dma source(%dma_start3A_25 : memref<10240xi32, #tpu.memory_space<hbm>>) target(%arg5 : memref<10240xi32, #tpu.memory_space<vmem>>) target_semaphore(%run_scoped3A : memref<!tpu.dma_semaphore, #tpu.memory_space<semaphore_mem>>)
      %dma_wait3A = arith.constant 0 : i32
      %dma_wait3A_26 = tpu.memref_slice %arg2[%add3A, %dma_wait3A] : memref<32x10240xi32, #tpu.memory_space<hbm>> -> memref<1x10240xi32, #tpu.memory_space<hbm>>
      %dma_wait3A_27 = tpu.memref_squeeze %dma_wait3A_26 : memref<1x10240xi32, #tpu.memory_space<hbm>> -> memref<10240xi32, #tpu.memory_space<hbm>>
      %dma_wait3A_28 = arith.constant 0 : i32
      %dma_wait3A_29 = tpu.memref_slice %arg2[%add3A, %dma_wait3A_28] : memref<32x10240xi32, #tpu.memory_space<hbm>> -> memref<1x10240xi32, #tpu.memory_space<hbm>>
      %dma_wait3A_30 = tpu.memref_squeeze %dma_wait3A_29 : memref<1x10240xi32, #tpu.memory_space<hbm>> -> memref<10240xi32, #tpu.memory_space<hbm>>
      tpu.wait_dma2 semaphore(%run_scoped3A : memref<!tpu.dma_semaphore, #tpu.memory_space<semaphore_mem>>) src(%dma_wait3A_30 : memref<10240xi32, #tpu.memory_space<hbm>>) dst(%arg5 : memref<10240xi32, #tpu.memory_space<vmem>>)
      tpu.yield
    }) : () -> ()
    %broadcast_in_dim3A = arith.constant 1.000000e+00 : f32
    %broadcast_in_dim3A_1 = vector.broadcast %broadcast_in_dim3A : f32 to vector<16xf32>
    %scan3A = arith.constant 0 : i32
    %scan3A_2 = arith.constant 0 : i32
    %scan3A_3 = arith.constant 640 : i32
    %scan3A_4 = arith.addi %scan3A_2, %scan3A_3 : i32
    %scan3A_5 = arith.constant 1 : i32
    scf.for %scan3A_21 = %scan3A_2 to %scan3A_4 step %scan3A_5  : i32 {
      %mul3A_22 = arith.constant 16 : i32
      %mul3A_23 = arith.muli %scan3A_21, %mul3A_22 : i32
      %get3A = arith.index_cast %mul3A_23 : i32 to index
      %get3A_24 = tpu.vector_load %arg5[%get3A] {strides = array<i32>} : memref<10240xi32, #tpu.memory_space<vmem>>, vector<16xi32>,
      tpu.vector_store_idx %arg6[%get3A_24], %broadcast_in_dim3A_1 {add = true} : memref<10240xf32, #tpu.memory_space<vmem>>[vector<16xi32>], vector<16xf32>,
    }
    %scan3A_6 = arith.constant 640 : i32
    "tpu.region"() ({
      %run_scoped3A = tpu.sem_alloc : memref<!tpu.dma_semaphore, #tpu.memory_space<semaphore_mem>>
      %dma_start3A = arith.constant 0 : i32
      %dma_start3A_21 = tpu.memref_slice %arg9[%arg1, %dma_start3A] : memref<16x10240xf32, #tpu.memory_space<vmem_shared>> -> memref<1x10240xf32, #tpu.memory_space<vmem_shared>>
      %dma_start3A_22 = tpu.memref_squeeze %dma_start3A_21 : memref<1x10240xf32, #tpu.memory_space<vmem_shared>> -> memref<10240xf32, #tpu.memory_space<vmem_shared>>
      %dma_start3A_23 = arith.constant 0 : i32
      %dma_start3A_24 = tpu.memref_slice %arg9[%arg1, %dma_start3A_23] : memref<16x10240xf32, #tpu.memory_space<vmem_shared>> -> memref<1x10240xf32, #tpu.memory_space<vmem_shared>>
      %dma_start3A_25 = tpu.memref_squeeze %dma_start3A_24 : memref<1x10240xf32, #tpu.memory_space<vmem_shared>> -> memref<10240xf32, #tpu.memory_space<vmem_shared>>
      tpu.enqueue_dma source(%arg6 : memref<10240xf32, #tpu.memory_space<vmem>>) target(%dma_start3A_25 : memref<10240xf32, #tpu.memory_space<vmem_shared>>) target_semaphore(%run_scoped3A : memref<!tpu.dma_semaphore, #tpu.memory_space<semaphore_mem>>)
      %dma_wait3A = arith.constant 0 : i32
      %dma_wait3A_26 = tpu.memref_slice %arg9[%arg1, %dma_wait3A] : memref<16x10240xf32, #tpu.memory_space<vmem_shared>> -> memref<1x10240xf32, #tpu.memory_space<vmem_shared>>
      %dma_wait3A_27 = tpu.memref_squeeze %dma_wait3A_26 : memref<1x10240xf32, #tpu.memory_space<vmem_shared>> -> memref<10240xf32, #tpu.memory_space<vmem_shared>>
      %dma_wait3A_28 = arith.constant 0 : i32
      %dma_wait3A_29 = tpu.memref_slice %arg9[%arg1, %dma_wait3A_28] : memref<16x10240xf32, #tpu.memory_space<vmem_shared>> -> memref<1x10240xf32, #tpu.memory_space<vmem_shared>>
      %dma_wait3A_30 = tpu.memref_squeeze %dma_wait3A_29 : memref<1x10240xf32, #tpu.memory_space<vmem_shared>> -> memref<10240xf32, #tpu.memory_space<vmem_shared>>
      tpu.wait_dma2 semaphore(%run_scoped3A : memref<!tpu.dma_semaphore, #tpu.memory_space<semaphore_mem>>) src(%arg6 : memref<10240xf32, #tpu.memory_space<vmem>>) dst(%dma_wait3A_30 : memref<10240xf32, #tpu.memory_space<vmem_shared>>)
      tpu.yield
    }) : () -> ()
    %barrier3A = arith.constant 0 : index
    tpu.barrier barrier_id(%barrier3A)
    %mul3A_7 = arith.constant 640 : i32
    %mul3A_8 = arith.muli %arg1, %mul3A_7 : i32
    "tpu.region"() ({
      %run_scoped3A = tpu.sem_alloc : memref<!tpu.dma_semaphore, #tpu.memory_space<semaphore_mem>>
      %dma_start3A = arith.constant 0 : i32
      %dma_start3A_21 = tpu.memref_slice %arg9[%dma_start3A, %mul3A_8] : memref<16x10240xf32, #tpu.memory_space<vmem_shared>> -> memref<8x640xf32, #tpu.memory_space<vmem_shared>>
      %dma_start3A_22 = arith.constant 0 : i32
      %dma_start3A_23 = tpu.memref_slice %arg9[%dma_start3A_22, %mul3A_8] : memref<16x10240xf32, #tpu.memory_space<vmem_shared>> -> memref<8x640xf32, #tpu.memory_space<vmem_shared>>
      tpu.enqueue_dma source(%dma_start3A_23 : memref<8x640xf32, #tpu.memory_space<vmem_shared>>) target(%arg7 : memref<8x640xf32, #tpu.memory_space<vmem>>) target_semaphore(%run_scoped3A : memref<!tpu.dma_semaphore, #tpu.memory_space<semaphore_mem>>)
      %dma_wait3A = arith.constant 0 : i32
      %dma_wait3A_24 = tpu.memref_slice %arg9[%dma_wait3A, %mul3A_8] : memref<16x10240xf32, #tpu.memory_space<vmem_shared>> -> memref<8x640xf32, #tpu.memory_space<vmem_shared>>
      %dma_wait3A_25 = arith.constant 0 : i32
      %dma_wait3A_26 = tpu.memref_slice %arg9[%dma_wait3A_25, %mul3A_8] : memref<16x10240xf32, #tpu.memory_space<vmem_shared>> -> memref<8x640xf32, #tpu.memory_space<vmem_shared>>
      tpu.wait_dma2 semaphore(%run_scoped3A : memref<!tpu.dma_semaphore, #tpu.memory_space<semaphore_mem>>) src(%dma_wait3A_26 : memref<8x640xf32, #tpu.memory_space<vmem_shared>>) dst(%arg7 : memref<8x640xf32, #tpu.memory_space<vmem>>)
      tpu.yield
    }) : () -> ()
    %scan3A_9 = arith.constant 0 : i32
    %scan3A_10 = arith.constant 0 : i32
    %scan3A_11 = arith.constant 40 : i32
    %scan3A_12 = arith.addi %scan3A_10, %scan3A_11 : i32
    %scan3A_13 = arith.constant 1 : i32
    scf.for %scan3A_21 = %scan3A_10 to %scan3A_12 step %scan3A_13  : i32 {
      %mul3A_22 = arith.constant 16 : i32
      %mul3A_23 = arith.muli %scan3A_21, %mul3A_22 : i32
      %get3A = arith.constant 0 : i32
      %get3A_24 = arith.index_cast %get3A : i32 to index
      %get3A_25 = arith.index_cast %mul3A_23 : i32 to index
      %get3A_26 = tpu.vector_load %arg7[%get3A_24, %get3A_25] {strides = array<i32>} : memref<8x640xf32, #tpu.memory_space<vmem>>, vector<16xf32>,
      %mul3A_27 = arith.constant 16 : i32
      %mul3A_28 = arith.muli %scan3A_21, %mul3A_27 : i32
      %get3A_29 = arith.constant 1 : i32
      %get3A_30 = arith.index_cast %get3A_29 : i32 to index
      %get3A_31 = arith.index_cast %mul3A_28 : i32 to index
      %get3A_32 = tpu.vector_load %arg7[%get3A_30, %get3A_31] {strides = array<i32>} : memref<8x640xf32, #tpu.memory_space<vmem>>, vector<16xf32>,
      %add3A_33 = arith.addf %get3A_26, %get3A_32 : vector<16xf32>
      %mul3A_34 = arith.constant 16 : i32
      %mul3A_35 = arith.muli %scan3A_21, %mul3A_34 : i32
      %get3A_36 = arith.constant 2 : i32
      %get3A_37 = arith.index_cast %get3A_36 : i32 to index
      %get3A_38 = arith.index_cast %mul3A_35 : i32 to index
      %get3A_39 = tpu.vector_load %arg7[%get3A_37, %get3A_38] {strides = array<i32>} : memref<8x640xf32, #tpu.memory_space<vmem>>, vector<16xf32>,
      %add3A_40 = arith.addf %add3A_33, %get3A_39 : vector<16xf32>
      %mul3A_41 = arith.constant 16 : i32
      %mul3A_42 = arith.muli %scan3A_21, %mul3A_41 : i32
      %get3A_43 = arith.constant 3 : i32
      %get3A_44 = arith.index_cast %get3A_43 : i32 to index
      %get3A_45 = arith.index_cast %mul3A_42 : i32 to index
      %get3A_46 = tpu.vector_load %arg7[%get3A_44, %get3A_45] {strides = array<i32>} : memref<8x640xf32, #tpu.memory_space<vmem>>, vector<16xf32>,
      %add3A_47 = arith.addf %add3A_40, %get3A_46 : vector<16xf32>
      %mul3A_48 = arith.constant 16 : i32
      %mul3A_49 = arith.muli %scan3A_21, %mul3A_48 : i32
      %get3A_50 = arith.constant 4 : i32
      %get3A_51 = arith.index_cast %get3A_50 : i32 to index
      %get3A_52 = arith.index_cast %mul3A_49 : i32 to index
      %get3A_53 = tpu.vector_load %arg7[%get3A_51, %get3A_52] {strides = array<i32>} : memref<8x640xf32, #tpu.memory_space<vmem>>, vector<16xf32>,
      %add3A_54 = arith.addf %add3A_47, %get3A_53 : vector<16xf32>
      %mul3A_55 = arith.constant 16 : i32
      %mul3A_56 = arith.muli %scan3A_21, %mul3A_55 : i32
      %get3A_57 = arith.constant 5 : i32
      %get3A_58 = arith.index_cast %get3A_57 : i32 to index
      %get3A_59 = arith.index_cast %mul3A_56 : i32 to index
      %get3A_60 = tpu.vector_load %arg7[%get3A_58, %get3A_59] {strides = array<i32>} : memref<8x640xf32, #tpu.memory_space<vmem>>, vector<16xf32>,
      %add3A_61 = arith.addf %add3A_54, %get3A_60 : vector<16xf32>
      %mul3A_62 = arith.constant 16 : i32
      %mul3A_63 = arith.muli %scan3A_21, %mul3A_62 : i32
      %get3A_64 = arith.constant 6 : i32
      %get3A_65 = arith.index_cast %get3A_64 : i32 to index
      %get3A_66 = arith.index_cast %mul3A_63 : i32 to index
      %get3A_67 = tpu.vector_load %arg7[%get3A_65, %get3A_66] {strides = array<i32>} : memref<8x640xf32, #tpu.memory_space<vmem>>, vector<16xf32>,
      %add3A_68 = arith.addf %add3A_61, %get3A_67 : vector<16xf32>
      %mul3A_69 = arith.constant 16 : i32
      %mul3A_70 = arith.muli %scan3A_21, %mul3A_69 : i32
      %get3A_71 = arith.constant 7 : i32
      %get3A_72 = arith.index_cast %get3A_71 : i32 to index
      %get3A_73 = arith.index_cast %mul3A_70 : i32 to index
      %get3A_74 = tpu.vector_load %arg7[%get3A_72, %get3A_73] {strides = array<i32>} : memref<8x640xf32, #tpu.memory_space<vmem>>, vector<16xf32>,
      %add3A_75 = arith.addf %add3A_68, %get3A_74 : vector<16xf32>
      %mul3A_76 = arith.constant 16 : i32
      %mul3A_77 = arith.muli %scan3A_21, %mul3A_76 : i32
      %swap3A = arith.index_cast %mul3A_77 : i32 to index
      %swap3A_78 = tpu.vector_load %arg8[%swap3A] {strides = array<i32>} : memref<640xf32, #tpu.memory_space<vmem>>, vector<16xf32>,
      tpu.vector_store %arg8[%swap3A], %add3A_75 {strides = array<i32>} : memref<640xf32, #tpu.memory_space<vmem>>, vector<16xf32>,
    }
    %scan3A_14 = arith.constant 40 : i32
    "tpu.region"() ({
      %run_scoped3A = tpu.sem_alloc : memref<!tpu.dma_semaphore, #tpu.memory_space<semaphore_mem>>
      %dma_start3A = arith.constant 8 : i32
      %dma_start3A_21 = tpu.memref_slice %arg9[%dma_start3A, %mul3A_8] : memref<16x10240xf32, #tpu.memory_space<vmem_shared>> -> memref<8x640xf32, #tpu.memory_space<vmem_shared>>
      %dma_start3A_22 = arith.constant 8 : i32
      %dma_start3A_23 = tpu.memref_slice %arg9[%dma_start3A_22, %mul3A_8] : memref<16x10240xf32, #tpu.memory_space<vmem_shared>> -> memref<8x640xf32, #tpu.memory_space<vmem_shared>>
      tpu.enqueue_dma source(%dma_start3A_23 : memref<8x640xf32, #tpu.memory_space<vmem_shared>>) target(%arg7 : memref<8x640xf32, #tpu.memory_space<vmem>>) target_semaphore(%run_scoped3A : memref<!tpu.dma_semaphore, #tpu.memory_space<semaphore_mem>>)
      %dma_wait3A = arith.constant 8 : i32
      %dma_wait3A_24 = tpu.memref_slice %arg9[%dma_wait3A, %mul3A_8] : memref<16x10240xf32, #tpu.memory_space<vmem_shared>> -> memref<8x640xf32, #tpu.memory_space<vmem_shared>>
      %dma_wait3A_25 = arith.constant 8 : i32
      %dma_wait3A_26 = tpu.memref_slice %arg9[%dma_wait3A_25, %mul3A_8] : memref<16x10240xf32, #tpu.memory_space<vmem_shared>> -> memref<8x640xf32, #tpu.memory_space<vmem_shared>>
      tpu.wait_dma2 semaphore(%run_scoped3A : memref<!tpu.dma_semaphore, #tpu.memory_space<semaphore_mem>>) src(%dma_wait3A_26 : memref<8x640xf32, #tpu.memory_space<vmem_shared>>) dst(%arg7 : memref<8x640xf32, #tpu.memory_space<vmem>>)
      tpu.yield
    }) : () -> ()
    %scan3A_15 = arith.constant 0 : i32
    %scan3A_16 = arith.constant 0 : i32
    %scan3A_17 = arith.constant 40 : i32
    %scan3A_18 = arith.addi %scan3A_16, %scan3A_17 : i32
    %scan3A_19 = arith.constant 1 : i32
    scf.for %scan3A_21 = %scan3A_16 to %scan3A_18 step %scan3A_19  : i32 {
      %mul3A_22 = arith.constant 16 : i32
      %mul3A_23 = arith.muli %scan3A_21, %mul3A_22 : i32
      %get3A = arith.constant 0 : i32
      %get3A_24 = arith.index_cast %get3A : i32 to index
      %get3A_25 = arith.index_cast %mul3A_23 : i32 to index
      %get3A_26 = tpu.vector_load %arg7[%get3A_24, %get3A_25] {strides = array<i32>} : memref<8x640xf32, #tpu.memory_space<vmem>>, vector<16xf32>,
      %mul3A_27 = arith.constant 16 : i32
      %mul3A_28 = arith.muli %scan3A_21, %mul3A_27 : i32
      %get3A_29 = arith.constant 1 : i32
      %get3A_30 = arith.index_cast %get3A_29 : i32 to index
      %get3A_31 = arith.index_cast %mul3A_28 : i32 to index
      %get3A_32 = tpu.vector_load %arg7[%get3A_30, %get3A_31] {strides = array<i32>} : memref<8x640xf32, #tpu.memory_space<vmem>>, vector<16xf32>,
      %add3A_33 = arith.addf %get3A_26, %get3A_32 : vector<16xf32>
      %mul3A_34 = arith.constant 16 : i32
      %mul3A_35 = arith.muli %scan3A_21, %mul3A_34 : i32
      %get3A_36 = arith.constant 2 : i32
      %get3A_37 = arith.index_cast %get3A_36 : i32 to index
      %get3A_38 = arith.index_cast %mul3A_35 : i32 to index
      %get3A_39 = tpu.vector_load %arg7[%get3A_37, %get3A_38] {strides = array<i32>} : memref<8x640xf32, #tpu.memory_space<vmem>>, vector<16xf32>,
      %add3A_40 = arith.addf %add3A_33, %get3A_39 : vector<16xf32>
      %mul3A_41 = arith.constant 16 : i32
      %mul3A_42 = arith.muli %scan3A_21, %mul3A_41 : i32
      %get3A_43 = arith.constant 3 : i32
      %get3A_44 = arith.index_cast %get3A_43 : i32 to index
      %get3A_45 = arith.index_cast %mul3A_42 : i32 to index
      %get3A_46 = tpu.vector_load %arg7[%get3A_44, %get3A_45] {strides = array<i32>} : memref<8x640xf32, #tpu.memory_space<vmem>>, vector<16xf32>,
      %add3A_47 = arith.addf %add3A_40, %get3A_46 : vector<16xf32>
      %mul3A_48 = arith.constant 16 : i32
      %mul3A_49 = arith.muli %scan3A_21, %mul3A_48 : i32
      %get3A_50 = arith.constant 4 : i32
      %get3A_51 = arith.index_cast %get3A_50 : i32 to index
      %get3A_52 = arith.index_cast %mul3A_49 : i32 to index
      %get3A_53 = tpu.vector_load %arg7[%get3A_51, %get3A_52] {strides = array<i32>} : memref<8x640xf32, #tpu.memory_space<vmem>>, vector<16xf32>,
      %add3A_54 = arith.addf %add3A_47, %get3A_53 : vector<16xf32>
      %mul3A_55 = arith.constant 16 : i32
      %mul3A_56 = arith.muli %scan3A_21, %mul3A_55 : i32
      %get3A_57 = arith.constant 5 : i32
      %get3A_58 = arith.index_cast %get3A_57 : i32 to index
      %get3A_59 = arith.index_cast %mul3A_56 : i32 to index
      %get3A_60 = tpu.vector_load %arg7[%get3A_58, %get3A_59] {strides = array<i32>} : memref<8x640xf32, #tpu.memory_space<vmem>>, vector<16xf32>,
      %add3A_61 = arith.addf %add3A_54, %get3A_60 : vector<16xf32>
      %mul3A_62 = arith.constant 16 : i32
      %mul3A_63 = arith.muli %scan3A_21, %mul3A_62 : i32
      %get3A_64 = arith.constant 6 : i32
      %get3A_65 = arith.index_cast %get3A_64 : i32 to index
      %get3A_66 = arith.index_cast %mul3A_63 : i32 to index
      %get3A_67 = tpu.vector_load %arg7[%get3A_65, %get3A_66] {strides = array<i32>} : memref<8x640xf32, #tpu.memory_space<vmem>>, vector<16xf32>,
      %add3A_68 = arith.addf %add3A_61, %get3A_67 : vector<16xf32>
      %mul3A_69 = arith.constant 16 : i32
      %mul3A_70 = arith.muli %scan3A_21, %mul3A_69 : i32
      %get3A_71 = arith.constant 7 : i32
      %get3A_72 = arith.index_cast %get3A_71 : i32 to index
      %get3A_73 = arith.index_cast %mul3A_70 : i32 to index
      %get3A_74 = tpu.vector_load %arg7[%get3A_72, %get3A_73] {strides = array<i32>} : memref<8x640xf32, #tpu.memory_space<vmem>>, vector<16xf32>,
      %add3A_75 = arith.addf %add3A_68, %get3A_74 : vector<16xf32>
      %mul3A_76 = arith.constant 16 : i32
      %mul3A_77 = arith.muli %scan3A_21, %mul3A_76 : i32
      %get3A_78 = arith.index_cast %mul3A_77 : i32 to index
      %get3A_79 = tpu.vector_load %arg8[%get3A_78] {strides = array<i32>} : memref<640xf32, #tpu.memory_space<vmem>>, vector<16xf32>,
      %add3A_80 = arith.addf %get3A_79, %add3A_75 : vector<16xf32>
      %mul3A_81 = arith.constant 16 : i32
      %mul3A_82 = arith.muli %scan3A_21, %mul3A_81 : i32
      %swap3A = arith.index_cast %mul3A_82 : i32 to index
      %swap3A_83 = tpu.vector_load %arg8[%swap3A] {strides = array<i32>} : memref<640xf32, #tpu.memory_space<vmem>>, vector<16xf32>,
      tpu.vector_store %arg8[%swap3A], %add3A_80 {strides = array<i32>} : memref<640xf32, #tpu.memory_space<vmem>>, vector<16xf32>,
    }
    %scan3A_20 = arith.constant 40 : i32
    "tpu.region"() ({
      %run_scoped3A = tpu.sem_alloc : memref<!tpu.dma_semaphore, #tpu.memory_space<semaphore_mem>>
      %dma_start3A = tpu.memref_slice %arg4[%arg0, %mul3A_8] : memref<2x10240xf32, #tpu.memory_space<hbm>> -> memref<1x640xf32, #tpu.memory_space<hbm>>
      %dma_start3A_21 = tpu.memref_squeeze %dma_start3A : memref<1x640xf32, #tpu.memory_space<hbm>> -> memref<640xf32, #tpu.memory_space<hbm>>
      %dma_start3A_22 = tpu.memref_slice %arg4[%arg0, %mul3A_8] : memref<2x10240xf32, #tpu.memory_space<hbm>> -> memref<1x640xf32, #tpu.memory_space<hbm>>
      %dma_start3A_23 = tpu.memref_squeeze %dma_start3A_22 : memref<1x640xf32, #tpu.memory_space<hbm>> -> memref<640xf32, #tpu.memory_space<hbm>>
      tpu.enqueue_dma source(%arg8 : memref<640xf32, #tpu.memory_space<vmem>>) target(%dma_start3A_23 : memref<640xf32, #tpu.memory_space<hbm>>) target_semaphore(%run_scoped3A : memref<!tpu.dma_semaphore, #tpu.memory_space<semaphore_mem>>)
      %dma_wait3A = tpu.memref_slice %arg4[%arg0, %mul3A_8] : memref<2x10240xf32, #tpu.memory_space<hbm>> -> memref<1x640xf32, #tpu.memory_space<hbm>>
      %dma_wait3A_24 = tpu.memref_squeeze %dma_wait3A : memref<1x640xf32, #tpu.memory_space<hbm>> -> memref<640xf32, #tpu.memory_space<hbm>>
      %dma_wait3A_25 = tpu.memref_slice %arg4[%arg0, %mul3A_8] : memref<2x10240xf32, #tpu.memory_space<hbm>> -> memref<1x640xf32, #tpu.memory_space<hbm>>
      %dma_wait3A_26 = tpu.memref_squeeze %dma_wait3A_25 : memref<1x640xf32, #tpu.memory_space<hbm>> -> memref<640xf32, #tpu.memory_space<hbm>>
      tpu.wait_dma2 semaphore(%run_scoped3A : memref<!tpu.dma_semaphore, #tpu.memory_space<semaphore_mem>>) src(%arg8 : memref<640xf32, #tpu.memory_space<vmem>>) dst(%dma_wait3A_26 : memref<640xf32, #tpu.memory_space<hbm>>)
      tpu.yield
    }) : () -> ()
    return
  }
}

#map = affine_map<(d0, d1) -> (0, 0)>
#map1 = affine_map<(d0, d1) -> (0, 0, 0)>
module attributes {stable_mosaic.version = 14 : i64} {
  func.func @_sc_agg_body(%arg0: i32, %arg1: i32, %arg2: memref<10240x128xf32, #tpu.memory_space<hbm>>, %arg3: memref<32x82x128xi32, #tpu.memory_space<hbm>>, %arg4: memref<32x82x128xi32, #tpu.memory_space<hbm>>, %arg5: memref<640x128xf32, #tpu.memory_space<hbm>>, %arg6: memref<2x10240x128xf32, #tpu.memory_space<hbm>>, %arg7: memref<128xi32, #tpu.memory_space<vmem>>, %arg8: memref<128xi32, #tpu.memory_space<vmem>>, %arg9: memref<128xi32, #tpu.memory_space<vmem>>, %arg10: memref<128xi32, #tpu.memory_space<vmem>>, %arg11: memref<128x128xf32, #tpu.memory_space<vmem>>, %arg12: memref<128x128xf32, #tpu.memory_space<vmem>>, %arg13: memref<10240x128xf32, #tpu.memory_space<vmem_shared>>, %arg14: memref<!tpu.dma_semaphore, #tpu.memory_space<semaphore_mem>>, %arg15: memref<!tpu.dma_semaphore, #tpu.memory_space<semaphore_mem>>, %arg16: memref<!tpu.dma_semaphore, #tpu.memory_space<semaphore_mem>>, %arg17: memref<!tpu.dma_semaphore, #tpu.memory_space<semaphore_mem>>, %arg18: memref<!tpu.dma_semaphore, #tpu.memory_space<semaphore_mem>>, %arg19: memref<!tpu.dma_semaphore, #tpu.memory_space<semaphore_mem>>) attributes {dimension_semantics = [#tpu.dimension_semantics<core_parallel>, #tpu.dimension_semantics<subcore_parallel>], iteration_bounds = array<i64: 2, 16>, scalar_prefetch = 0 : i64, scratch_operands = 13 : i64, tpu.core_type = #tpu.core_type<sc_vector_subcore>, window_params = [{transform_indices = #map}, {transform_indices = #map1}, {transform_indices = #map1}, {transform_indices = #map}, {transform_indices = #map1}]} {
    %mul3A = arith.constant 16 : i32
    %mul3A_0 = arith.muli %arg0, %mul3A : i32
    %add3A = arith.addi %mul3A_0, %arg1 : i32
    %mul3A_1 = arith.constant 640 : i32
    %mul3A_2 = arith.muli %arg1, %mul3A_1 : i32
    "tpu.region"() ({
      %run_scoped3A_14 = tpu.sem_alloc : memref<!tpu.dma_semaphore, #tpu.memory_space<semaphore_mem>>
      %dma_start3A = arith.constant 0 : i32
      %dma_start3A_15 = tpu.memref_slice %arg13[%mul3A_2, %dma_start3A] : memref<10240x128xf32, #tpu.memory_space<vmem_shared>> -> memref<640x128xf32, #tpu.memory_space<vmem_shared>>
      tpu.enqueue_dma source(%arg5 : memref<640x128xf32, #tpu.memory_space<hbm>>) target(%dma_start3A_15 : memref<640x128xf32, #tpu.memory_space<vmem_shared>>) target_semaphore(%run_scoped3A_14 : memref<!tpu.dma_semaphore, #tpu.memory_space<semaphore_mem>>)
      %dma_wait3A = arith.constant 0 : i32
      %dma_wait3A_16 = tpu.memref_slice %arg13[%mul3A_2, %dma_wait3A] : memref<10240x128xf32, #tpu.memory_space<vmem_shared>> -> memref<640x128xf32, #tpu.memory_space<vmem_shared>>
      tpu.wait_dma2 semaphore(%run_scoped3A_14 : memref<!tpu.dma_semaphore, #tpu.memory_space<semaphore_mem>>) src(%arg5 : memref<640x128xf32, #tpu.memory_space<hbm>>) dst(%dma_wait3A_16 : memref<640x128xf32, #tpu.memory_space<vmem_shared>>)
      tpu.yield
    }) : () -> ()
    %run_scoped3A = arith.constant 0 : i32
    "tpu.region"() ({
      %run_scoped3A_14 = tpu.sem_alloc : memref<!tpu.dma_semaphore, #tpu.memory_space<semaphore_mem>>
      %dma_start3A = arith.constant 0 : i32
      %dma_start3A_15 = tpu.memref_slice %arg3[%add3A, %run_scoped3A, %dma_start3A] : memref<32x82x128xi32, #tpu.memory_space<hbm>> -> memref<1x1x128xi32, #tpu.memory_space<hbm>>
      %dma_start3A_16 = tpu.memref_squeeze %dma_start3A_15 : memref<1x1x128xi32, #tpu.memory_space<hbm>> -> memref<128xi32, #tpu.memory_space<hbm>>
      %dma_start3A_17 = arith.constant 0 : i32
      %dma_start3A_18 = tpu.memref_slice %arg3[%add3A, %run_scoped3A, %dma_start3A_17] : memref<32x82x128xi32, #tpu.memory_space<hbm>> -> memref<1x1x128xi32, #tpu.memory_space<hbm>>
      %dma_start3A_19 = tpu.memref_squeeze %dma_start3A_18 : memref<1x1x128xi32, #tpu.memory_space<hbm>> -> memref<128xi32, #tpu.memory_space<hbm>>
      tpu.enqueue_dma source(%dma_start3A_19 : memref<128xi32, #tpu.memory_space<hbm>>) target(%arg7 : memref<128xi32, #tpu.memory_space<vmem>>) target_semaphore(%run_scoped3A_14 : memref<!tpu.dma_semaphore, #tpu.memory_space<semaphore_mem>>)
      %dma_wait3A = arith.constant 0 : i32
      %dma_wait3A_20 = tpu.memref_slice %arg3[%add3A, %run_scoped3A, %dma_wait3A] : memref<32x82x128xi32, #tpu.memory_space<hbm>> -> memref<1x1x128xi32, #tpu.memory_space<hbm>>
      %dma_wait3A_21 = tpu.memref_squeeze %dma_wait3A_20 : memref<1x1x128xi32, #tpu.memory_space<hbm>> -> memref<128xi32, #tpu.memory_space<hbm>>
      %dma_wait3A_22 = arith.constant 0 : i32
      %dma_wait3A_23 = tpu.memref_slice %arg3[%add3A, %run_scoped3A, %dma_wait3A_22] : memref<32x82x128xi32, #tpu.memory_space<hbm>> -> memref<1x1x128xi32, #tpu.memory_space<hbm>>
      %dma_wait3A_24 = tpu.memref_squeeze %dma_wait3A_23 : memref<1x1x128xi32, #tpu.memory_space<hbm>> -> memref<128xi32, #tpu.memory_space<hbm>>
      tpu.wait_dma2 semaphore(%run_scoped3A_14 : memref<!tpu.dma_semaphore, #tpu.memory_space<semaphore_mem>>) src(%dma_wait3A_24 : memref<128xi32, #tpu.memory_space<hbm>>) dst(%arg7 : memref<128xi32, #tpu.memory_space<vmem>>)
      tpu.yield
    }) : () -> ()
    %run_scoped3A_3 = arith.constant 0 : i32
    "tpu.region"() ({
      %run_scoped3A_14 = tpu.sem_alloc : memref<!tpu.dma_semaphore, #tpu.memory_space<semaphore_mem>>
      %dma_start3A = arith.constant 0 : i32
      %dma_start3A_15 = tpu.memref_slice %arg4[%add3A, %run_scoped3A_3, %dma_start3A] : memref<32x82x128xi32, #tpu.memory_space<hbm>> -> memref<1x1x128xi32, #tpu.memory_space<hbm>>
      %dma_start3A_16 = tpu.memref_squeeze %dma_start3A_15 : memref<1x1x128xi32, #tpu.memory_space<hbm>> -> memref<128xi32, #tpu.memory_space<hbm>>
      %dma_start3A_17 = arith.constant 0 : i32
      %dma_start3A_18 = tpu.memref_slice %arg4[%add3A, %run_scoped3A_3, %dma_start3A_17] : memref<32x82x128xi32, #tpu.memory_space<hbm>> -> memref<1x1x128xi32, #tpu.memory_space<hbm>>
      %dma_start3A_19 = tpu.memref_squeeze %dma_start3A_18 : memref<1x1x128xi32, #tpu.memory_space<hbm>> -> memref<128xi32, #tpu.memory_space<hbm>>
      tpu.enqueue_dma source(%dma_start3A_19 : memref<128xi32, #tpu.memory_space<hbm>>) target(%arg9 : memref<128xi32, #tpu.memory_space<vmem>>) target_semaphore(%run_scoped3A_14 : memref<!tpu.dma_semaphore, #tpu.memory_space<semaphore_mem>>)
      %dma_wait3A = arith.constant 0 : i32
      %dma_wait3A_20 = tpu.memref_slice %arg4[%add3A, %run_scoped3A_3, %dma_wait3A] : memref<32x82x128xi32, #tpu.memory_space<hbm>> -> memref<1x1x128xi32, #tpu.memory_space<hbm>>
      %dma_wait3A_21 = tpu.memref_squeeze %dma_wait3A_20 : memref<1x1x128xi32, #tpu.memory_space<hbm>> -> memref<128xi32, #tpu.memory_space<hbm>>
      %dma_wait3A_22 = arith.constant 0 : i32
      %dma_wait3A_23 = tpu.memref_slice %arg4[%add3A, %run_scoped3A_3, %dma_wait3A_22] : memref<32x82x128xi32, #tpu.memory_space<hbm>> -> memref<1x1x128xi32, #tpu.memory_space<hbm>>
      %dma_wait3A_24 = tpu.memref_squeeze %dma_wait3A_23 : memref<1x1x128xi32, #tpu.memory_space<hbm>> -> memref<128xi32, #tpu.memory_space<hbm>>
      tpu.wait_dma2 semaphore(%run_scoped3A_14 : memref<!tpu.dma_semaphore, #tpu.memory_space<semaphore_mem>>) src(%dma_wait3A_24 : memref<128xi32, #tpu.memory_space<hbm>>) dst(%arg9 : memref<128xi32, #tpu.memory_space<vmem>>)
      tpu.yield
    }) : () -> ()
    %run_scoped3A_4 = arith.constant 1 : i32
    "tpu.region"() ({
      %run_scoped3A_14 = tpu.sem_alloc : memref<!tpu.dma_semaphore, #tpu.memory_space<semaphore_mem>>
      %dma_start3A = arith.constant 0 : i32
      %dma_start3A_15 = tpu.memref_slice %arg3[%add3A, %run_scoped3A_4, %dma_start3A] : memref<32x82x128xi32, #tpu.memory_space<hbm>> -> memref<1x1x128xi32, #tpu.memory_space<hbm>>
      %dma_start3A_16 = tpu.memref_squeeze %dma_start3A_15 : memref<1x1x128xi32, #tpu.memory_space<hbm>> -> memref<128xi32, #tpu.memory_space<hbm>>
      %dma_start3A_17 = arith.constant 0 : i32
      %dma_start3A_18 = tpu.memref_slice %arg3[%add3A, %run_scoped3A_4, %dma_start3A_17] : memref<32x82x128xi32, #tpu.memory_space<hbm>> -> memref<1x1x128xi32, #tpu.memory_space<hbm>>
      %dma_start3A_19 = tpu.memref_squeeze %dma_start3A_18 : memref<1x1x128xi32, #tpu.memory_space<hbm>> -> memref<128xi32, #tpu.memory_space<hbm>>
      tpu.enqueue_dma source(%dma_start3A_19 : memref<128xi32, #tpu.memory_space<hbm>>) target(%arg8 : memref<128xi32, #tpu.memory_space<vmem>>) target_semaphore(%run_scoped3A_14 : memref<!tpu.dma_semaphore, #tpu.memory_space<semaphore_mem>>)
      %dma_wait3A = arith.constant 0 : i32
      %dma_wait3A_20 = tpu.memref_slice %arg3[%add3A, %run_scoped3A_4, %dma_wait3A] : memref<32x82x128xi32, #tpu.memory_space<hbm>> -> memref<1x1x128xi32, #tpu.memory_space<hbm>>
      %dma_wait3A_21 = tpu.memref_squeeze %dma_wait3A_20 : memref<1x1x128xi32, #tpu.memory_space<hbm>> -> memref<128xi32, #tpu.memory_space<hbm>>
      %dma_wait3A_22 = arith.constant 0 : i32
      %dma_wait3A_23 = tpu.memref_slice %arg3[%add3A, %run_scoped3A_4, %dma_wait3A_22] : memref<32x82x128xi32, #tpu.memory_space<hbm>> -> memref<1x1x128xi32, #tpu.memory_space<hbm>>
      %dma_wait3A_24 = tpu.memref_squeeze %dma_wait3A_23 : memref<1x1x128xi32, #tpu.memory_space<hbm>> -> memref<128xi32, #tpu.memory_space<hbm>>
      tpu.wait_dma2 semaphore(%run_scoped3A_14 : memref<!tpu.dma_semaphore, #tpu.memory_space<semaphore_mem>>) src(%dma_wait3A_24 : memref<128xi32, #tpu.memory_space<hbm>>) dst(%arg8 : memref<128xi32, #tpu.memory_space<vmem>>)
      tpu.yield
    }) : () -> ()
    %run_scoped3A_5 = arith.constant 1 : i32
    "tpu.region"() ({
      %run_scoped3A_14 = tpu.sem_alloc : memref<!tpu.dma_semaphore, #tpu.memory_space<semaphore_mem>>
      %dma_start3A = arith.constant 0 : i32
      %dma_start3A_15 = tpu.memref_slice %arg4[%add3A, %run_scoped3A_5, %dma_start3A] : memref<32x82x128xi32, #tpu.memory_space<hbm>> -> memref<1x1x128xi32, #tpu.memory_space<hbm>>
      %dma_start3A_16 = tpu.memref_squeeze %dma_start3A_15 : memref<1x1x128xi32, #tpu.memory_space<hbm>> -> memref<128xi32, #tpu.memory_space<hbm>>
      %dma_start3A_17 = arith.constant 0 : i32
      %dma_start3A_18 = tpu.memref_slice %arg4[%add3A, %run_scoped3A_5, %dma_start3A_17] : memref<32x82x128xi32, #tpu.memory_space<hbm>> -> memref<1x1x128xi32, #tpu.memory_space<hbm>>
      %dma_start3A_19 = tpu.memref_squeeze %dma_start3A_18 : memref<1x1x128xi32, #tpu.memory_space<hbm>> -> memref<128xi32, #tpu.memory_space<hbm>>
      tpu.enqueue_dma source(%dma_start3A_19 : memref<128xi32, #tpu.memory_space<hbm>>) target(%arg10 : memref<128xi32, #tpu.memory_space<vmem>>) target_semaphore(%run_scoped3A_14 : memref<!tpu.dma_semaphore, #tpu.memory_space<semaphore_mem>>)
      %dma_wait3A = arith.constant 0 : i32
      %dma_wait3A_20 = tpu.memref_slice %arg4[%add3A, %run_scoped3A_5, %dma_wait3A] : memref<32x82x128xi32, #tpu.memory_space<hbm>> -> memref<1x1x128xi32, #tpu.memory_space<hbm>>
      %dma_wait3A_21 = tpu.memref_squeeze %dma_wait3A_20 : memref<1x1x128xi32, #tpu.memory_space<hbm>> -> memref<128xi32, #tpu.memory_space<hbm>>
      %dma_wait3A_22 = arith.constant 0 : i32
      %dma_wait3A_23 = tpu.memref_slice %arg4[%add3A, %run_scoped3A_5, %dma_wait3A_22] : memref<32x82x128xi32, #tpu.memory_space<hbm>> -> memref<1x1x128xi32, #tpu.memory_space<hbm>>
      %dma_wait3A_24 = tpu.memref_squeeze %dma_wait3A_23 : memref<1x1x128xi32, #tpu.memory_space<hbm>> -> memref<128xi32, #tpu.memory_space<hbm>>
      tpu.wait_dma2 semaphore(%run_scoped3A_14 : memref<!tpu.dma_semaphore, #tpu.memory_space<semaphore_mem>>) src(%dma_wait3A_24 : memref<128xi32, #tpu.memory_space<hbm>>) dst(%arg10 : memref<128xi32, #tpu.memory_space<vmem>>)
      tpu.yield
    }) : () -> ()
    %barrier3A = arith.constant 0 : index
    tpu.barrier barrier_id(%barrier3A)
    %scan3A = arith.constant 0 : i32
    %scan3A_6 = arith.constant 0 : i32
    %scan3A_7 = arith.constant 40 : i32
    %scan3A_8 = arith.addi %scan3A_6, %scan3A_7 : i32
    %scan3A_9 = arith.constant 1 : i32
    scf.for %scan3A_14 = %scan3A_6 to %scan3A_8 step %scan3A_9  : i32 {
      %dma_start3A = arith.constant 0 : i32
      %dma_start3A_15 = arith.constant 0 : i32
      %dma_start3A_16 = tpu.memref_slice %arg2[%dma_start3A, %dma_start3A_15] : memref<10240x128xf32, #tpu.memory_space<hbm>> -> memref<10240x128xf32, #tpu.memory_space<hbm>>
      tpu.enqueue_indirect_dma source(%dma_start3A_16 : memref<10240x128xf32, #tpu.memory_space<hbm>>) target(%arg11 : memref<128x128xf32, #tpu.memory_space<vmem>>) offsets(%arg7 : memref<128xi32, #tpu.memory_space<vmem>>) semaphore(%arg14 : memref<!tpu.dma_semaphore, #tpu.memory_space<semaphore_mem>>)
      %dma_start3A_17 = arith.constant 0 : i32
      %dma_start3A_18 = arith.constant 0 : i32
      %dma_start3A_19 = tpu.memref_slice %arg2[%dma_start3A_17, %dma_start3A_18] : memref<10240x128xf32, #tpu.memory_space<hbm>> -> memref<10240x128xf32, #tpu.memory_space<hbm>>
      tpu.enqueue_indirect_dma source(%dma_start3A_19 : memref<10240x128xf32, #tpu.memory_space<hbm>>) target(%arg12 : memref<128x128xf32, #tpu.memory_space<vmem>>) offsets(%arg8 : memref<128xi32, #tpu.memory_space<vmem>>) semaphore(%arg15 : memref<!tpu.dma_semaphore, #tpu.memory_space<semaphore_mem>>)
      %dma_wait3A = arith.constant 0 : i32
      %dma_wait3A_20 = arith.constant 0 : i32
      %dma_wait3A_21 = tpu.memref_slice %arg2[%dma_wait3A, %dma_wait3A_20] : memref<10240x128xf32, #tpu.memory_space<hbm>> -> memref<10240x128xf32, #tpu.memory_space<hbm>>
      tpu.wait_indirect_dma semaphore(%arg14 : memref<!tpu.dma_semaphore, #tpu.memory_space<semaphore_mem>>) src(%dma_wait3A_21 : memref<10240x128xf32, #tpu.memory_space<hbm>>) dst(%arg11 : memref<128x128xf32, #tpu.memory_space<vmem>>)
      %dma_start3A_22 = arith.constant 0 : i32
      %dma_start3A_23 = arith.constant 0 : i32
      %dma_start3A_24 = tpu.memref_slice %arg13[%dma_start3A_22, %dma_start3A_23] : memref<10240x128xf32, #tpu.memory_space<vmem_shared>> -> memref<10240x128xf32, #tpu.memory_space<vmem_shared>>
      tpu.enqueue_indirect_dma source(%arg11 : memref<128x128xf32, #tpu.memory_space<vmem>>) target(%dma_start3A_24 : memref<10240x128xf32, #tpu.memory_space<vmem_shared>>) offsets(%arg9 : memref<128xi32, #tpu.memory_space<vmem>>) semaphore(%arg16 : memref<!tpu.dma_semaphore, #tpu.memory_space<semaphore_mem>>) {add = true}
      %mul3A_25 = arith.constant 2 : i32
      %mul3A_26 = arith.muli %mul3A_25, %scan3A_14 : i32
      %add3A_27 = arith.constant 2 : i32
      %add3A_28 = arith.addi %mul3A_26, %add3A_27 : i32
      %dma_start3A_29 = arith.constant 0 : i32
      %dma_start3A_30 = tpu.memref_slice %arg3[%add3A, %add3A_28, %dma_start3A_29] : memref<32x82x128xi32, #tpu.memory_space<hbm>> -> memref<1x1x128xi32, #tpu.memory_space<hbm>>
      %dma_start3A_31 = tpu.memref_squeeze %dma_start3A_30 : memref<1x1x128xi32, #tpu.memory_space<hbm>> -> memref<128xi32, #tpu.memory_space<hbm>>
      %dma_start3A_32 = arith.constant 0 : i32
      %dma_start3A_33 = tpu.memref_slice %arg3[%add3A, %add3A_28, %dma_start3A_32] : memref<32x82x128xi32, #tpu.memory_space<hbm>> -> memref<1x1x128xi32, #tpu.memory_space<hbm>>
      %dma_start3A_34 = tpu.memref_squeeze %dma_start3A_33 : memref<1x1x128xi32, #tpu.memory_space<hbm>> -> memref<128xi32, #tpu.memory_space<hbm>>
      tpu.enqueue_dma source(%dma_start3A_34 : memref<128xi32, #tpu.memory_space<hbm>>) target(%arg7 : memref<128xi32, #tpu.memory_space<vmem>>) target_semaphore(%arg18 : memref<!tpu.dma_semaphore, #tpu.memory_space<semaphore_mem>>)
      %dma_wait3A_35 = arith.constant 0 : i32
      %dma_wait3A_36 = arith.constant 0 : i32
      %dma_wait3A_37 = tpu.memref_slice %arg2[%dma_wait3A_35, %dma_wait3A_36] : memref<10240x128xf32, #tpu.memory_space<hbm>> -> memref<10240x128xf32, #tpu.memory_space<hbm>>
      tpu.wait_indirect_dma semaphore(%arg15 : memref<!tpu.dma_semaphore, #tpu.memory_space<semaphore_mem>>) src(%dma_wait3A_37 : memref<10240x128xf32, #tpu.memory_space<hbm>>) dst(%arg12 : memref<128x128xf32, #tpu.memory_space<vmem>>)
      %dma_start3A_38 = arith.constant 0 : i32
      %dma_start3A_39 = arith.constant 0 : i32
      %dma_start3A_40 = tpu.memref_slice %arg13[%dma_start3A_38, %dma_start3A_39] : memref<10240x128xf32, #tpu.memory_space<vmem_shared>> -> memref<10240x128xf32, #tpu.memory_space<vmem_shared>>
      tpu.enqueue_indirect_dma source(%arg12 : memref<128x128xf32, #tpu.memory_space<vmem>>) target(%dma_start3A_40 : memref<10240x128xf32, #tpu.memory_space<vmem_shared>>) offsets(%arg10 : memref<128xi32, #tpu.memory_space<vmem>>) semaphore(%arg17 : memref<!tpu.dma_semaphore, #tpu.memory_space<semaphore_mem>>) {add = true}
      %mul3A_41 = arith.constant 2 : i32
      %mul3A_42 = arith.muli %mul3A_41, %scan3A_14 : i32
      %add3A_43 = arith.constant 3 : i32
      %add3A_44 = arith.addi %mul3A_42, %add3A_43 : i32
      %dma_start3A_45 = arith.constant 0 : i32
      %dma_start3A_46 = tpu.memref_slice %arg3[%add3A, %add3A_44, %dma_start3A_45] : memref<32x82x128xi32, #tpu.memory_space<hbm>> -> memref<1x1x128xi32, #tpu.memory_space<hbm>>
      %dma_start3A_47 = tpu.memref_squeeze %dma_start3A_46 : memref<1x1x128xi32, #tpu.memory_space<hbm>> -> memref<128xi32, #tpu.memory_space<hbm>>
      %dma_start3A_48 = arith.constant 0 : i32
      %dma_start3A_49 = tpu.memref_slice %arg3[%add3A, %add3A_44, %dma_start3A_48] : memref<32x82x128xi32, #tpu.memory_space<hbm>> -> memref<1x1x128xi32, #tpu.memory_space<hbm>>
      %dma_start3A_50 = tpu.memref_squeeze %dma_start3A_49 : memref<1x1x128xi32, #tpu.memory_space<hbm>> -> memref<128xi32, #tpu.memory_space<hbm>>
      tpu.enqueue_dma source(%dma_start3A_50 : memref<128xi32, #tpu.memory_space<hbm>>) target(%arg8 : memref<128xi32, #tpu.memory_space<vmem>>) target_semaphore(%arg19 : memref<!tpu.dma_semaphore, #tpu.memory_space<semaphore_mem>>)
      %dma_wait3A_51 = arith.constant 0 : i32
      %dma_wait3A_52 = arith.constant 0 : i32
      %dma_wait3A_53 = tpu.memref_slice %arg13[%dma_wait3A_51, %dma_wait3A_52] : memref<10240x128xf32, #tpu.memory_space<vmem_shared>> -> memref<10240x128xf32, #tpu.memory_space<vmem_shared>>
      tpu.wait_indirect_dma semaphore(%arg16 : memref<!tpu.dma_semaphore, #tpu.memory_space<semaphore_mem>>) src(%arg11 : memref<128x128xf32, #tpu.memory_space<vmem>>) dst(%dma_wait3A_53 : memref<10240x128xf32, #tpu.memory_space<vmem_shared>>)
      %mul3A_54 = arith.constant 2 : i32
      %mul3A_55 = arith.muli %mul3A_54, %scan3A_14 : i32
      %add3A_56 = arith.constant 2 : i32
      %add3A_57 = arith.addi %mul3A_55, %add3A_56 : i32
      %dma_start3A_58 = arith.constant 0 : i32
      %dma_start3A_59 = tpu.memref_slice %arg4[%add3A, %add3A_57, %dma_start3A_58] : memref<32x82x128xi32, #tpu.memory_space<hbm>> -> memref<1x1x128xi32, #tpu.memory_space<hbm>>
      %dma_start3A_60 = tpu.memref_squeeze %dma_start3A_59 : memref<1x1x128xi32, #tpu.memory_space<hbm>> -> memref<128xi32, #tpu.memory_space<hbm>>
      %dma_start3A_61 = arith.constant 0 : i32
      %dma_start3A_62 = tpu.memref_slice %arg4[%add3A, %add3A_57, %dma_start3A_61] : memref<32x82x128xi32, #tpu.memory_space<hbm>> -> memref<1x1x128xi32, #tpu.memory_space<hbm>>
      %dma_start3A_63 = tpu.memref_squeeze %dma_start3A_62 : memref<1x1x128xi32, #tpu.memory_space<hbm>> -> memref<128xi32, #tpu.memory_space<hbm>>
      tpu.enqueue_dma source(%dma_start3A_63 : memref<128xi32, #tpu.memory_space<hbm>>) target(%arg9 : memref<128xi32, #tpu.memory_space<vmem>>) target_semaphore(%arg18 : memref<!tpu.dma_semaphore, #tpu.memory_space<semaphore_mem>>)
      %dma_wait3A_64 = arith.constant 0 : i32
      %dma_wait3A_65 = arith.constant 0 : i32
      %dma_wait3A_66 = tpu.memref_slice %arg13[%dma_wait3A_64, %dma_wait3A_65] : memref<10240x128xf32, #tpu.memory_space<vmem_shared>> -> memref<10240x128xf32, #tpu.memory_space<vmem_shared>>
      tpu.wait_indirect_dma semaphore(%arg17 : memref<!tpu.dma_semaphore, #tpu.memory_space<semaphore_mem>>) src(%arg12 : memref<128x128xf32, #tpu.memory_space<vmem>>) dst(%dma_wait3A_66 : memref<10240x128xf32, #tpu.memory_space<vmem_shared>>)
      %mul3A_67 = arith.constant 2 : i32
      %mul3A_68 = arith.muli %mul3A_67, %scan3A_14 : i32
      %add3A_69 = arith.constant 3 : i32
      %add3A_70 = arith.addi %mul3A_68, %add3A_69 : i32
      %dma_start3A_71 = arith.constant 0 : i32
      %dma_start3A_72 = tpu.memref_slice %arg4[%add3A, %add3A_70, %dma_start3A_71] : memref<32x82x128xi32, #tpu.memory_space<hbm>> -> memref<1x1x128xi32, #tpu.memory_space<hbm>>
      %dma_start3A_73 = tpu.memref_squeeze %dma_start3A_72 : memref<1x1x128xi32, #tpu.memory_space<hbm>> -> memref<128xi32, #tpu.memory_space<hbm>>
      %dma_start3A_74 = arith.constant 0 : i32
      %dma_start3A_75 = tpu.memref_slice %arg4[%add3A, %add3A_70, %dma_start3A_74] : memref<32x82x128xi32, #tpu.memory_space<hbm>> -> memref<1x1x128xi32, #tpu.memory_space<hbm>>
      %dma_start3A_76 = tpu.memref_squeeze %dma_start3A_75 : memref<1x1x128xi32, #tpu.memory_space<hbm>> -> memref<128xi32, #tpu.memory_space<hbm>>
      tpu.enqueue_dma source(%dma_start3A_76 : memref<128xi32, #tpu.memory_space<hbm>>) target(%arg10 : memref<128xi32, #tpu.memory_space<vmem>>) target_semaphore(%arg19 : memref<!tpu.dma_semaphore, #tpu.memory_space<semaphore_mem>>)
      %dma_wait3A_77 = arith.constant 0 : i32
      %dma_wait3A_78 = tpu.memref_slice %arg3[%add3A, %add3A_28, %dma_wait3A_77] : memref<32x82x128xi32, #tpu.memory_space<hbm>> -> memref<1x1x128xi32, #tpu.memory_space<hbm>>
      %dma_wait3A_79 = tpu.memref_squeeze %dma_wait3A_78 : memref<1x1x128xi32, #tpu.memory_space<hbm>> -> memref<128xi32, #tpu.memory_space<hbm>>
      %dma_wait3A_80 = arith.constant 0 : i32
      %dma_wait3A_81 = tpu.memref_slice %arg3[%add3A, %add3A_28, %dma_wait3A_80] : memref<32x82x128xi32, #tpu.memory_space<hbm>> -> memref<1x1x128xi32, #tpu.memory_space<hbm>>
      %dma_wait3A_82 = tpu.memref_squeeze %dma_wait3A_81 : memref<1x1x128xi32, #tpu.memory_space<hbm>> -> memref<128xi32, #tpu.memory_space<hbm>>
      tpu.wait_dma2 semaphore(%arg18 : memref<!tpu.dma_semaphore, #tpu.memory_space<semaphore_mem>>) src(%dma_wait3A_82 : memref<128xi32, #tpu.memory_space<hbm>>) dst(%arg7 : memref<128xi32, #tpu.memory_space<vmem>>)
      %dma_wait3A_83 = arith.constant 0 : i32
      %dma_wait3A_84 = tpu.memref_slice %arg4[%add3A, %add3A_57, %dma_wait3A_83] : memref<32x82x128xi32, #tpu.memory_space<hbm>> -> memref<1x1x128xi32, #tpu.memory_space<hbm>>
      %dma_wait3A_85 = tpu.memref_squeeze %dma_wait3A_84 : memref<1x1x128xi32, #tpu.memory_space<hbm>> -> memref<128xi32, #tpu.memory_space<hbm>>
      %dma_wait3A_86 = arith.constant 0 : i32
      %dma_wait3A_87 = tpu.memref_slice %arg4[%add3A, %add3A_57, %dma_wait3A_86] : memref<32x82x128xi32, #tpu.memory_space<hbm>> -> memref<1x1x128xi32, #tpu.memory_space<hbm>>
      %dma_wait3A_88 = tpu.memref_squeeze %dma_wait3A_87 : memref<1x1x128xi32, #tpu.memory_space<hbm>> -> memref<128xi32, #tpu.memory_space<hbm>>
      tpu.wait_dma2 semaphore(%arg18 : memref<!tpu.dma_semaphore, #tpu.memory_space<semaphore_mem>>) src(%dma_wait3A_88 : memref<128xi32, #tpu.memory_space<hbm>>) dst(%arg9 : memref<128xi32, #tpu.memory_space<vmem>>)
      %dma_wait3A_89 = arith.constant 0 : i32
      %dma_wait3A_90 = tpu.memref_slice %arg3[%add3A, %add3A_44, %dma_wait3A_89] : memref<32x82x128xi32, #tpu.memory_space<hbm>> -> memref<1x1x128xi32, #tpu.memory_space<hbm>>
      %dma_wait3A_91 = tpu.memref_squeeze %dma_wait3A_90 : memref<1x1x128xi32, #tpu.memory_space<hbm>> -> memref<128xi32, #tpu.memory_space<hbm>>
      %dma_wait3A_92 = arith.constant 0 : i32
      %dma_wait3A_93 = tpu.memref_slice %arg3[%add3A, %add3A_44, %dma_wait3A_92] : memref<32x82x128xi32, #tpu.memory_space<hbm>> -> memref<1x1x128xi32, #tpu.memory_space<hbm>>
      %dma_wait3A_94 = tpu.memref_squeeze %dma_wait3A_93 : memref<1x1x128xi32, #tpu.memory_space<hbm>> -> memref<128xi32, #tpu.memory_space<hbm>>
      tpu.wait_dma2 semaphore(%arg19 : memref<!tpu.dma_semaphore, #tpu.memory_space<semaphore_mem>>) src(%dma_wait3A_94 : memref<128xi32, #tpu.memory_space<hbm>>) dst(%arg8 : memref<128xi32, #tpu.memory_space<vmem>>)
      %dma_wait3A_95 = arith.constant 0 : i32
      %dma_wait3A_96 = tpu.memref_slice %arg4[%add3A, %add3A_70, %dma_wait3A_95] : memref<32x82x128xi32, #tpu.memory_space<hbm>> -> memref<1x1x128xi32, #tpu.memory_space<hbm>>
      %dma_wait3A_97 = tpu.memref_squeeze %dma_wait3A_96 : memref<1x1x128xi32, #tpu.memory_space<hbm>> -> memref<128xi32, #tpu.memory_space<hbm>>
      %dma_wait3A_98 = arith.constant 0 : i32
      %dma_wait3A_99 = tpu.memref_slice %arg4[%add3A, %add3A_70, %dma_wait3A_98] : memref<32x82x128xi32, #tpu.memory_space<hbm>> -> memref<1x1x128xi32, #tpu.memory_space<hbm>>
      %dma_wait3A_100 = tpu.memref_squeeze %dma_wait3A_99 : memref<1x1x128xi32, #tpu.memory_space<hbm>> -> memref<128xi32, #tpu.memory_space<hbm>>
      tpu.wait_dma2 semaphore(%arg19 : memref<!tpu.dma_semaphore, #tpu.memory_space<semaphore_mem>>) src(%dma_wait3A_100 : memref<128xi32, #tpu.memory_space<hbm>>) dst(%arg10 : memref<128xi32, #tpu.memory_space<vmem>>)
    }
    %scan3A_10 = arith.constant 40 : i32
    %barrier3A_11 = arith.constant 0 : index
    tpu.barrier barrier_id(%barrier3A_11)
    %mul3A_12 = arith.constant 640 : i32
    %mul3A_13 = arith.muli %arg1, %mul3A_12 : i32
    "tpu.region"() ({
      %run_scoped3A_14 = tpu.sem_alloc : memref<!tpu.dma_semaphore, #tpu.memory_space<semaphore_mem>>
      %dma_start3A = arith.constant 0 : i32
      %dma_start3A_15 = tpu.memref_slice %arg6[%arg0, %mul3A_13, %dma_start3A] : memref<2x10240x128xf32, #tpu.memory_space<hbm>> -> memref<1x640x128xf32, #tpu.memory_space<hbm>>
      %dma_start3A_16 = tpu.memref_squeeze %dma_start3A_15 : memref<1x640x128xf32, #tpu.memory_space<hbm>> -> memref<640x128xf32, #tpu.memory_space<hbm>>
      %dma_start3A_17 = arith.constant 0 : i32
      %dma_start3A_18 = tpu.memref_slice %arg13[%mul3A_13, %dma_start3A_17] : memref<10240x128xf32, #tpu.memory_space<vmem_shared>> -> memref<640x128xf32, #tpu.memory_space<vmem_shared>>
      tpu.enqueue_dma source(%dma_start3A_18 : memref<640x128xf32, #tpu.memory_space<vmem_shared>>) target(%dma_start3A_16 : memref<640x128xf32, #tpu.memory_space<hbm>>) target_semaphore(%run_scoped3A_14 : memref<!tpu.dma_semaphore, #tpu.memory_space<semaphore_mem>>)
      %dma_wait3A = arith.constant 0 : i32
      %dma_wait3A_19 = tpu.memref_slice %arg6[%arg0, %mul3A_13, %dma_wait3A] : memref<2x10240x128xf32, #tpu.memory_space<hbm>> -> memref<1x640x128xf32, #tpu.memory_space<hbm>>
      %dma_wait3A_20 = tpu.memref_squeeze %dma_wait3A_19 : memref<1x640x128xf32, #tpu.memory_space<hbm>> -> memref<640x128xf32, #tpu.memory_space<hbm>>
      %dma_wait3A_21 = arith.constant 0 : i32
      %dma_wait3A_22 = tpu.memref_slice %arg13[%mul3A_13, %dma_wait3A_21] : memref<10240x128xf32, #tpu.memory_space<vmem_shared>> -> memref<640x128xf32, #tpu.memory_space<vmem_shared>>
      tpu.wait_dma2 semaphore(%run_scoped3A_14 : memref<!tpu.dma_semaphore, #tpu.memory_space<semaphore_mem>>) src(%dma_wait3A_22 : memref<640x128xf32, #tpu.memory_space<vmem_shared>>) dst(%dma_wait3A_20 : memref<640x128xf32, #tpu.memory_space<hbm>>)
      tpu.yield
    }) : () -> ()
    return
  }
}

#map = affine_map<(d0, d1) -> (0, 0)>
#map1 = affine_map<(d0, d1) -> (0, 0, 0)>
module attributes {stable_mosaic.version = 14 : i64} {
  func.func @_sc_agg_body(%arg0: i32, %arg1: i32, %arg2: memref<10240x128xf32, #tpu.memory_space<hbm>>, %arg3: memref<32x82x128xi32, #tpu.memory_space<hbm>>, %arg4: memref<32x82x128xi32, #tpu.memory_space<hbm>>, %arg5: memref<640x128xf32, #tpu.memory_space<hbm>>, %arg6: memref<2x10240x128xf32, #tpu.memory_space<hbm>>, %arg7: memref<128xi32, #tpu.memory_space<vmem>>, %arg8: memref<128xi32, #tpu.memory_space<vmem>>, %arg9: memref<128xi32, #tpu.memory_space<vmem>>, %arg10: memref<128xi32, #tpu.memory_space<vmem>>, %arg11: memref<128x128xf32, #tpu.memory_space<vmem>>, %arg12: memref<128x128xf32, #tpu.memory_space<vmem>>, %arg13: memref<10240x128xf32, #tpu.memory_space<vmem_shared>>, %arg14: memref<!tpu.dma_semaphore, #tpu.memory_space<semaphore_mem>>, %arg15: memref<!tpu.dma_semaphore, #tpu.memory_space<semaphore_mem>>, %arg16: memref<!tpu.dma_semaphore, #tpu.memory_space<semaphore_mem>>, %arg17: memref<!tpu.dma_semaphore, #tpu.memory_space<semaphore_mem>>, %arg18: memref<!tpu.dma_semaphore, #tpu.memory_space<semaphore_mem>>, %arg19: memref<!tpu.dma_semaphore, #tpu.memory_space<semaphore_mem>>) attributes {dimension_semantics = [#tpu.dimension_semantics<core_parallel>, #tpu.dimension_semantics<subcore_parallel>], iteration_bounds = array<i64: 2, 16>, scalar_prefetch = 0 : i64, scratch_operands = 13 : i64, tpu.core_type = #tpu.core_type<sc_vector_subcore>, window_params = [{transform_indices = #map}, {transform_indices = #map1}, {transform_indices = #map1}, {transform_indices = #map}, {transform_indices = #map1}]} {
    %mul3A = arith.constant 16 : i32
    %mul3A_0 = arith.muli %arg0, %mul3A : i32
    %add3A = arith.addi %mul3A_0, %arg1 : i32
    %mul3A_1 = arith.constant 640 : i32
    %mul3A_2 = arith.muli %arg1, %mul3A_1 : i32
    "tpu.region"() ({
      %run_scoped3A_14 = tpu.sem_alloc : memref<!tpu.dma_semaphore, #tpu.memory_space<semaphore_mem>>
      %dma_start3A = arith.constant 0 : i32
      %dma_start3A_15 = tpu.memref_slice %arg13[%mul3A_2, %dma_start3A] : memref<10240x128xf32, #tpu.memory_space<vmem_shared>> -> memref<640x128xf32, #tpu.memory_space<vmem_shared>>
      tpu.enqueue_dma source(%arg5 : memref<640x128xf32, #tpu.memory_space<hbm>>) target(%dma_start3A_15 : memref<640x128xf32, #tpu.memory_space<vmem_shared>>) target_semaphore(%run_scoped3A_14 : memref<!tpu.dma_semaphore, #tpu.memory_space<semaphore_mem>>)
      %dma_wait3A = arith.constant 0 : i32
      %dma_wait3A_16 = tpu.memref_slice %arg13[%mul3A_2, %dma_wait3A] : memref<10240x128xf32, #tpu.memory_space<vmem_shared>> -> memref<640x128xf32, #tpu.memory_space<vmem_shared>>
      tpu.wait_dma2 semaphore(%run_scoped3A_14 : memref<!tpu.dma_semaphore, #tpu.memory_space<semaphore_mem>>) src(%arg5 : memref<640x128xf32, #tpu.memory_space<hbm>>) dst(%dma_wait3A_16 : memref<640x128xf32, #tpu.memory_space<vmem_shared>>)
      tpu.yield
    }) : () -> ()
    %run_scoped3A = arith.constant 0 : i32
    "tpu.region"() ({
      %run_scoped3A_14 = tpu.sem_alloc : memref<!tpu.dma_semaphore, #tpu.memory_space<semaphore_mem>>
      %dma_start3A = arith.constant 0 : i32
      %dma_start3A_15 = tpu.memref_slice %arg3[%add3A, %run_scoped3A, %dma_start3A] : memref<32x82x128xi32, #tpu.memory_space<hbm>> -> memref<1x1x128xi32, #tpu.memory_space<hbm>>
      %dma_start3A_16 = tpu.memref_squeeze %dma_start3A_15 : memref<1x1x128xi32, #tpu.memory_space<hbm>> -> memref<128xi32, #tpu.memory_space<hbm>>
      %dma_start3A_17 = arith.constant 0 : i32
      %dma_start3A_18 = tpu.memref_slice %arg3[%add3A, %run_scoped3A, %dma_start3A_17] : memref<32x82x128xi32, #tpu.memory_space<hbm>> -> memref<1x1x128xi32, #tpu.memory_space<hbm>>
      %dma_start3A_19 = tpu.memref_squeeze %dma_start3A_18 : memref<1x1x128xi32, #tpu.memory_space<hbm>> -> memref<128xi32, #tpu.memory_space<hbm>>
      tpu.enqueue_dma source(%dma_start3A_19 : memref<128xi32, #tpu.memory_space<hbm>>) target(%arg7 : memref<128xi32, #tpu.memory_space<vmem>>) target_semaphore(%run_scoped3A_14 : memref<!tpu.dma_semaphore, #tpu.memory_space<semaphore_mem>>)
      %dma_wait3A = arith.constant 0 : i32
      %dma_wait3A_20 = tpu.memref_slice %arg3[%add3A, %run_scoped3A, %dma_wait3A] : memref<32x82x128xi32, #tpu.memory_space<hbm>> -> memref<1x1x128xi32, #tpu.memory_space<hbm>>
      %dma_wait3A_21 = tpu.memref_squeeze %dma_wait3A_20 : memref<1x1x128xi32, #tpu.memory_space<hbm>> -> memref<128xi32, #tpu.memory_space<hbm>>
      %dma_wait3A_22 = arith.constant 0 : i32
      %dma_wait3A_23 = tpu.memref_slice %arg3[%add3A, %run_scoped3A, %dma_wait3A_22] : memref<32x82x128xi32, #tpu.memory_space<hbm>> -> memref<1x1x128xi32, #tpu.memory_space<hbm>>
      %dma_wait3A_24 = tpu.memref_squeeze %dma_wait3A_23 : memref<1x1x128xi32, #tpu.memory_space<hbm>> -> memref<128xi32, #tpu.memory_space<hbm>>
      tpu.wait_dma2 semaphore(%run_scoped3A_14 : memref<!tpu.dma_semaphore, #tpu.memory_space<semaphore_mem>>) src(%dma_wait3A_24 : memref<128xi32, #tpu.memory_space<hbm>>) dst(%arg7 : memref<128xi32, #tpu.memory_space<vmem>>)
      tpu.yield
    }) : () -> ()
    %run_scoped3A_3 = arith.constant 0 : i32
    "tpu.region"() ({
      %run_scoped3A_14 = tpu.sem_alloc : memref<!tpu.dma_semaphore, #tpu.memory_space<semaphore_mem>>
      %dma_start3A = arith.constant 0 : i32
      %dma_start3A_15 = tpu.memref_slice %arg4[%add3A, %run_scoped3A_3, %dma_start3A] : memref<32x82x128xi32, #tpu.memory_space<hbm>> -> memref<1x1x128xi32, #tpu.memory_space<hbm>>
      %dma_start3A_16 = tpu.memref_squeeze %dma_start3A_15 : memref<1x1x128xi32, #tpu.memory_space<hbm>> -> memref<128xi32, #tpu.memory_space<hbm>>
      %dma_start3A_17 = arith.constant 0 : i32
      %dma_start3A_18 = tpu.memref_slice %arg4[%add3A, %run_scoped3A_3, %dma_start3A_17] : memref<32x82x128xi32, #tpu.memory_space<hbm>> -> memref<1x1x128xi32, #tpu.memory_space<hbm>>
      %dma_start3A_19 = tpu.memref_squeeze %dma_start3A_18 : memref<1x1x128xi32, #tpu.memory_space<hbm>> -> memref<128xi32, #tpu.memory_space<hbm>>
      tpu.enqueue_dma source(%dma_start3A_19 : memref<128xi32, #tpu.memory_space<hbm>>) target(%arg9 : memref<128xi32, #tpu.memory_space<vmem>>) target_semaphore(%run_scoped3A_14 : memref<!tpu.dma_semaphore, #tpu.memory_space<semaphore_mem>>)
      %dma_wait3A = arith.constant 0 : i32
      %dma_wait3A_20 = tpu.memref_slice %arg4[%add3A, %run_scoped3A_3, %dma_wait3A] : memref<32x82x128xi32, #tpu.memory_space<hbm>> -> memref<1x1x128xi32, #tpu.memory_space<hbm>>
      %dma_wait3A_21 = tpu.memref_squeeze %dma_wait3A_20 : memref<1x1x128xi32, #tpu.memory_space<hbm>> -> memref<128xi32, #tpu.memory_space<hbm>>
      %dma_wait3A_22 = arith.constant 0 : i32
      %dma_wait3A_23 = tpu.memref_slice %arg4[%add3A, %run_scoped3A_3, %dma_wait3A_22] : memref<32x82x128xi32, #tpu.memory_space<hbm>> -> memref<1x1x128xi32, #tpu.memory_space<hbm>>
      %dma_wait3A_24 = tpu.memref_squeeze %dma_wait3A_23 : memref<1x1x128xi32, #tpu.memory_space<hbm>> -> memref<128xi32, #tpu.memory_space<hbm>>
      tpu.wait_dma2 semaphore(%run_scoped3A_14 : memref<!tpu.dma_semaphore, #tpu.memory_space<semaphore_mem>>) src(%dma_wait3A_24 : memref<128xi32, #tpu.memory_space<hbm>>) dst(%arg9 : memref<128xi32, #tpu.memory_space<vmem>>)
      tpu.yield
    }) : () -> ()
    %run_scoped3A_4 = arith.constant 1 : i32
    "tpu.region"() ({
      %run_scoped3A_14 = tpu.sem_alloc : memref<!tpu.dma_semaphore, #tpu.memory_space<semaphore_mem>>
      %dma_start3A = arith.constant 0 : i32
      %dma_start3A_15 = tpu.memref_slice %arg3[%add3A, %run_scoped3A_4, %dma_start3A] : memref<32x82x128xi32, #tpu.memory_space<hbm>> -> memref<1x1x128xi32, #tpu.memory_space<hbm>>
      %dma_start3A_16 = tpu.memref_squeeze %dma_start3A_15 : memref<1x1x128xi32, #tpu.memory_space<hbm>> -> memref<128xi32, #tpu.memory_space<hbm>>
      %dma_start3A_17 = arith.constant 0 : i32
      %dma_start3A_18 = tpu.memref_slice %arg3[%add3A, %run_scoped3A_4, %dma_start3A_17] : memref<32x82x128xi32, #tpu.memory_space<hbm>> -> memref<1x1x128xi32, #tpu.memory_space<hbm>>
      %dma_start3A_19 = tpu.memref_squeeze %dma_start3A_18 : memref<1x1x128xi32, #tpu.memory_space<hbm>> -> memref<128xi32, #tpu.memory_space<hbm>>
      tpu.enqueue_dma source(%dma_start3A_19 : memref<128xi32, #tpu.memory_space<hbm>>) target(%arg8 : memref<128xi32, #tpu.memory_space<vmem>>) target_semaphore(%run_scoped3A_14 : memref<!tpu.dma_semaphore, #tpu.memory_space<semaphore_mem>>)
      %dma_wait3A = arith.constant 0 : i32
      %dma_wait3A_20 = tpu.memref_slice %arg3[%add3A, %run_scoped3A_4, %dma_wait3A] : memref<32x82x128xi32, #tpu.memory_space<hbm>> -> memref<1x1x128xi32, #tpu.memory_space<hbm>>
      %dma_wait3A_21 = tpu.memref_squeeze %dma_wait3A_20 : memref<1x1x128xi32, #tpu.memory_space<hbm>> -> memref<128xi32, #tpu.memory_space<hbm>>
      %dma_wait3A_22 = arith.constant 0 : i32
      %dma_wait3A_23 = tpu.memref_slice %arg3[%add3A, %run_scoped3A_4, %dma_wait3A_22] : memref<32x82x128xi32, #tpu.memory_space<hbm>> -> memref<1x1x128xi32, #tpu.memory_space<hbm>>
      %dma_wait3A_24 = tpu.memref_squeeze %dma_wait3A_23 : memref<1x1x128xi32, #tpu.memory_space<hbm>> -> memref<128xi32, #tpu.memory_space<hbm>>
      tpu.wait_dma2 semaphore(%run_scoped3A_14 : memref<!tpu.dma_semaphore, #tpu.memory_space<semaphore_mem>>) src(%dma_wait3A_24 : memref<128xi32, #tpu.memory_space<hbm>>) dst(%arg8 : memref<128xi32, #tpu.memory_space<vmem>>)
      tpu.yield
    }) : () -> ()
    %run_scoped3A_5 = arith.constant 1 : i32
    "tpu.region"() ({
      %run_scoped3A_14 = tpu.sem_alloc : memref<!tpu.dma_semaphore, #tpu.memory_space<semaphore_mem>>
      %dma_start3A = arith.constant 0 : i32
      %dma_start3A_15 = tpu.memref_slice %arg4[%add3A, %run_scoped3A_5, %dma_start3A] : memref<32x82x128xi32, #tpu.memory_space<hbm>> -> memref<1x1x128xi32, #tpu.memory_space<hbm>>
      %dma_start3A_16 = tpu.memref_squeeze %dma_start3A_15 : memref<1x1x128xi32, #tpu.memory_space<hbm>> -> memref<128xi32, #tpu.memory_space<hbm>>
      %dma_start3A_17 = arith.constant 0 : i32
      %dma_start3A_18 = tpu.memref_slice %arg4[%add3A, %run_scoped3A_5, %dma_start3A_17] : memref<32x82x128xi32, #tpu.memory_space<hbm>> -> memref<1x1x128xi32, #tpu.memory_space<hbm>>
      %dma_start3A_19 = tpu.memref_squeeze %dma_start3A_18 : memref<1x1x128xi32, #tpu.memory_space<hbm>> -> memref<128xi32, #tpu.memory_space<hbm>>
      tpu.enqueue_dma source(%dma_start3A_19 : memref<128xi32, #tpu.memory_space<hbm>>) target(%arg10 : memref<128xi32, #tpu.memory_space<vmem>>) target_semaphore(%run_scoped3A_14 : memref<!tpu.dma_semaphore, #tpu.memory_space<semaphore_mem>>)
      %dma_wait3A = arith.constant 0 : i32
      %dma_wait3A_20 = tpu.memref_slice %arg4[%add3A, %run_scoped3A_5, %dma_wait3A] : memref<32x82x128xi32, #tpu.memory_space<hbm>> -> memref<1x1x128xi32, #tpu.memory_space<hbm>>
      %dma_wait3A_21 = tpu.memref_squeeze %dma_wait3A_20 : memref<1x1x128xi32, #tpu.memory_space<hbm>> -> memref<128xi32, #tpu.memory_space<hbm>>
      %dma_wait3A_22 = arith.constant 0 : i32
      %dma_wait3A_23 = tpu.memref_slice %arg4[%add3A, %run_scoped3A_5, %dma_wait3A_22] : memref<32x82x128xi32, #tpu.memory_space<hbm>> -> memref<1x1x128xi32, #tpu.memory_space<hbm>>
      %dma_wait3A_24 = tpu.memref_squeeze %dma_wait3A_23 : memref<1x1x128xi32, #tpu.memory_space<hbm>> -> memref<128xi32, #tpu.memory_space<hbm>>
      tpu.wait_dma2 semaphore(%run_scoped3A_14 : memref<!tpu.dma_semaphore, #tpu.memory_space<semaphore_mem>>) src(%dma_wait3A_24 : memref<128xi32, #tpu.memory_space<hbm>>) dst(%arg10 : memref<128xi32, #tpu.memory_space<vmem>>)
      tpu.yield
    }) : () -> ()
    %barrier3A = arith.constant 0 : index
    tpu.barrier barrier_id(%barrier3A)
    %scan3A = arith.constant 0 : i32
    %scan3A_6 = arith.constant 0 : i32
    %scan3A_7 = arith.constant 40 : i32
    %scan3A_8 = arith.addi %scan3A_6, %scan3A_7 : i32
    %scan3A_9 = arith.constant 1 : i32
    scf.for %scan3A_14 = %scan3A_6 to %scan3A_8 step %scan3A_9  : i32 {
      %dma_start3A = arith.constant 0 : i32
      %dma_start3A_15 = arith.constant 0 : i32
      %dma_start3A_16 = tpu.memref_slice %arg2[%dma_start3A, %dma_start3A_15] : memref<10240x128xf32, #tpu.memory_space<hbm>> -> memref<10240x128xf32, #tpu.memory_space<hbm>>
      tpu.enqueue_indirect_dma source(%dma_start3A_16 : memref<10240x128xf32, #tpu.memory_space<hbm>>) target(%arg11 : memref<128x128xf32, #tpu.memory_space<vmem>>) offsets(%arg7 : memref<128xi32, #tpu.memory_space<vmem>>) semaphore(%arg14 : memref<!tpu.dma_semaphore, #tpu.memory_space<semaphore_mem>>)
      %dma_start3A_17 = arith.constant 0 : i32
      %dma_start3A_18 = arith.constant 0 : i32
      %dma_start3A_19 = tpu.memref_slice %arg2[%dma_start3A_17, %dma_start3A_18] : memref<10240x128xf32, #tpu.memory_space<hbm>> -> memref<10240x128xf32, #tpu.memory_space<hbm>>
      tpu.enqueue_indirect_dma source(%dma_start3A_19 : memref<10240x128xf32, #tpu.memory_space<hbm>>) target(%arg12 : memref<128x128xf32, #tpu.memory_space<vmem>>) offsets(%arg8 : memref<128xi32, #tpu.memory_space<vmem>>) semaphore(%arg15 : memref<!tpu.dma_semaphore, #tpu.memory_space<semaphore_mem>>)
      %dma_wait3A = arith.constant 0 : i32
      %dma_wait3A_20 = arith.constant 0 : i32
      %dma_wait3A_21 = tpu.memref_slice %arg2[%dma_wait3A, %dma_wait3A_20] : memref<10240x128xf32, #tpu.memory_space<hbm>> -> memref<10240x128xf32, #tpu.memory_space<hbm>>
      tpu.wait_indirect_dma semaphore(%arg14 : memref<!tpu.dma_semaphore, #tpu.memory_space<semaphore_mem>>) src(%dma_wait3A_21 : memref<10240x128xf32, #tpu.memory_space<hbm>>) dst(%arg11 : memref<128x128xf32, #tpu.memory_space<vmem>>)
      %dma_start3A_22 = arith.constant 0 : i32
      %dma_start3A_23 = arith.constant 0 : i32
      %dma_start3A_24 = tpu.memref_slice %arg13[%dma_start3A_22, %dma_start3A_23] : memref<10240x128xf32, #tpu.memory_space<vmem_shared>> -> memref<10240x128xf32, #tpu.memory_space<vmem_shared>>
      tpu.enqueue_indirect_dma source(%arg11 : memref<128x128xf32, #tpu.memory_space<vmem>>) target(%dma_start3A_24 : memref<10240x128xf32, #tpu.memory_space<vmem_shared>>) offsets(%arg9 : memref<128xi32, #tpu.memory_space<vmem>>) semaphore(%arg16 : memref<!tpu.dma_semaphore, #tpu.memory_space<semaphore_mem>>) {add = true}
      %mul3A_25 = arith.constant 2 : i32
      %mul3A_26 = arith.muli %mul3A_25, %scan3A_14 : i32
      %add3A_27 = arith.constant 2 : i32
      %add3A_28 = arith.addi %mul3A_26, %add3A_27 : i32
      %dma_start3A_29 = arith.constant 0 : i32
      %dma_start3A_30 = tpu.memref_slice %arg3[%add3A, %add3A_28, %dma_start3A_29] : memref<32x82x128xi32, #tpu.memory_space<hbm>> -> memref<1x1x128xi32, #tpu.memory_space<hbm>>
      %dma_start3A_31 = tpu.memref_squeeze %dma_start3A_30 : memref<1x1x128xi32, #tpu.memory_space<hbm>> -> memref<128xi32, #tpu.memory_space<hbm>>
      %dma_start3A_32 = arith.constant 0 : i32
      %dma_start3A_33 = tpu.memref_slice %arg3[%add3A, %add3A_28, %dma_start3A_32] : memref<32x82x128xi32, #tpu.memory_space<hbm>> -> memref<1x1x128xi32, #tpu.memory_space<hbm>>
      %dma_start3A_34 = tpu.memref_squeeze %dma_start3A_33 : memref<1x1x128xi32, #tpu.memory_space<hbm>> -> memref<128xi32, #tpu.memory_space<hbm>>
      tpu.enqueue_dma source(%dma_start3A_34 : memref<128xi32, #tpu.memory_space<hbm>>) target(%arg7 : memref<128xi32, #tpu.memory_space<vmem>>) target_semaphore(%arg18 : memref<!tpu.dma_semaphore, #tpu.memory_space<semaphore_mem>>)
      %dma_wait3A_35 = arith.constant 0 : i32
      %dma_wait3A_36 = arith.constant 0 : i32
      %dma_wait3A_37 = tpu.memref_slice %arg2[%dma_wait3A_35, %dma_wait3A_36] : memref<10240x128xf32, #tpu.memory_space<hbm>> -> memref<10240x128xf32, #tpu.memory_space<hbm>>
      tpu.wait_indirect_dma semaphore(%arg15 : memref<!tpu.dma_semaphore, #tpu.memory_space<semaphore_mem>>) src(%dma_wait3A_37 : memref<10240x128xf32, #tpu.memory_space<hbm>>) dst(%arg12 : memref<128x128xf32, #tpu.memory_space<vmem>>)
      %dma_start3A_38 = arith.constant 0 : i32
      %dma_start3A_39 = arith.constant 0 : i32
      %dma_start3A_40 = tpu.memref_slice %arg13[%dma_start3A_38, %dma_start3A_39] : memref<10240x128xf32, #tpu.memory_space<vmem_shared>> -> memref<10240x128xf32, #tpu.memory_space<vmem_shared>>
      tpu.enqueue_indirect_dma source(%arg12 : memref<128x128xf32, #tpu.memory_space<vmem>>) target(%dma_start3A_40 : memref<10240x128xf32, #tpu.memory_space<vmem_shared>>) offsets(%arg10 : memref<128xi32, #tpu.memory_space<vmem>>) semaphore(%arg17 : memref<!tpu.dma_semaphore, #tpu.memory_space<semaphore_mem>>) {add = true}
      %mul3A_41 = arith.constant 2 : i32
      %mul3A_42 = arith.muli %mul3A_41, %scan3A_14 : i32
      %add3A_43 = arith.constant 3 : i32
      %add3A_44 = arith.addi %mul3A_42, %add3A_43 : i32
      %dma_start3A_45 = arith.constant 0 : i32
      %dma_start3A_46 = tpu.memref_slice %arg3[%add3A, %add3A_44, %dma_start3A_45] : memref<32x82x128xi32, #tpu.memory_space<hbm>> -> memref<1x1x128xi32, #tpu.memory_space<hbm>>
      %dma_start3A_47 = tpu.memref_squeeze %dma_start3A_46 : memref<1x1x128xi32, #tpu.memory_space<hbm>> -> memref<128xi32, #tpu.memory_space<hbm>>
      %dma_start3A_48 = arith.constant 0 : i32
      %dma_start3A_49 = tpu.memref_slice %arg3[%add3A, %add3A_44, %dma_start3A_48] : memref<32x82x128xi32, #tpu.memory_space<hbm>> -> memref<1x1x128xi32, #tpu.memory_space<hbm>>
      %dma_start3A_50 = tpu.memref_squeeze %dma_start3A_49 : memref<1x1x128xi32, #tpu.memory_space<hbm>> -> memref<128xi32, #tpu.memory_space<hbm>>
      tpu.enqueue_dma source(%dma_start3A_50 : memref<128xi32, #tpu.memory_space<hbm>>) target(%arg8 : memref<128xi32, #tpu.memory_space<vmem>>) target_semaphore(%arg19 : memref<!tpu.dma_semaphore, #tpu.memory_space<semaphore_mem>>)
      %dma_wait3A_51 = arith.constant 0 : i32
      %dma_wait3A_52 = arith.constant 0 : i32
      %dma_wait3A_53 = tpu.memref_slice %arg13[%dma_wait3A_51, %dma_wait3A_52] : memref<10240x128xf32, #tpu.memory_space<vmem_shared>> -> memref<10240x128xf32, #tpu.memory_space<vmem_shared>>
      tpu.wait_indirect_dma semaphore(%arg16 : memref<!tpu.dma_semaphore, #tpu.memory_space<semaphore_mem>>) src(%arg11 : memref<128x128xf32, #tpu.memory_space<vmem>>) dst(%dma_wait3A_53 : memref<10240x128xf32, #tpu.memory_space<vmem_shared>>)
      %mul3A_54 = arith.constant 2 : i32
      %mul3A_55 = arith.muli %mul3A_54, %scan3A_14 : i32
      %add3A_56 = arith.constant 2 : i32
      %add3A_57 = arith.addi %mul3A_55, %add3A_56 : i32
      %dma_start3A_58 = arith.constant 0 : i32
      %dma_start3A_59 = tpu.memref_slice %arg4[%add3A, %add3A_57, %dma_start3A_58] : memref<32x82x128xi32, #tpu.memory_space<hbm>> -> memref<1x1x128xi32, #tpu.memory_space<hbm>>
      %dma_start3A_60 = tpu.memref_squeeze %dma_start3A_59 : memref<1x1x128xi32, #tpu.memory_space<hbm>> -> memref<128xi32, #tpu.memory_space<hbm>>
      %dma_start3A_61 = arith.constant 0 : i32
      %dma_start3A_62 = tpu.memref_slice %arg4[%add3A, %add3A_57, %dma_start3A_61] : memref<32x82x128xi32, #tpu.memory_space<hbm>> -> memref<1x1x128xi32, #tpu.memory_space<hbm>>
      %dma_start3A_63 = tpu.memref_squeeze %dma_start3A_62 : memref<1x1x128xi32, #tpu.memory_space<hbm>> -> memref<128xi32, #tpu.memory_space<hbm>>
      tpu.enqueue_dma source(%dma_start3A_63 : memref<128xi32, #tpu.memory_space<hbm>>) target(%arg9 : memref<128xi32, #tpu.memory_space<vmem>>) target_semaphore(%arg18 : memref<!tpu.dma_semaphore, #tpu.memory_space<semaphore_mem>>)
      %dma_wait3A_64 = arith.constant 0 : i32
      %dma_wait3A_65 = arith.constant 0 : i32
      %dma_wait3A_66 = tpu.memref_slice %arg13[%dma_wait3A_64, %dma_wait3A_65] : memref<10240x128xf32, #tpu.memory_space<vmem_shared>> -> memref<10240x128xf32, #tpu.memory_space<vmem_shared>>
      tpu.wait_indirect_dma semaphore(%arg17 : memref<!tpu.dma_semaphore, #tpu.memory_space<semaphore_mem>>) src(%arg12 : memref<128x128xf32, #tpu.memory_space<vmem>>) dst(%dma_wait3A_66 : memref<10240x128xf32, #tpu.memory_space<vmem_shared>>)
      %mul3A_67 = arith.constant 2 : i32
      %mul3A_68 = arith.muli %mul3A_67, %scan3A_14 : i32
      %add3A_69 = arith.constant 3 : i32
      %add3A_70 = arith.addi %mul3A_68, %add3A_69 : i32
      %dma_start3A_71 = arith.constant 0 : i32
      %dma_start3A_72 = tpu.memref_slice %arg4[%add3A, %add3A_70, %dma_start3A_71] : memref<32x82x128xi32, #tpu.memory_space<hbm>> -> memref<1x1x128xi32, #tpu.memory_space<hbm>>
      %dma_start3A_73 = tpu.memref_squeeze %dma_start3A_72 : memref<1x1x128xi32, #tpu.memory_space<hbm>> -> memref<128xi32, #tpu.memory_space<hbm>>
      %dma_start3A_74 = arith.constant 0 : i32
      %dma_start3A_75 = tpu.memref_slice %arg4[%add3A, %add3A_70, %dma_start3A_74] : memref<32x82x128xi32, #tpu.memory_space<hbm>> -> memref<1x1x128xi32, #tpu.memory_space<hbm>>
      %dma_start3A_76 = tpu.memref_squeeze %dma_start3A_75 : memref<1x1x128xi32, #tpu.memory_space<hbm>> -> memref<128xi32, #tpu.memory_space<hbm>>
      tpu.enqueue_dma source(%dma_start3A_76 : memref<128xi32, #tpu.memory_space<hbm>>) target(%arg10 : memref<128xi32, #tpu.memory_space<vmem>>) target_semaphore(%arg19 : memref<!tpu.dma_semaphore, #tpu.memory_space<semaphore_mem>>)
      %dma_wait3A_77 = arith.constant 0 : i32
      %dma_wait3A_78 = tpu.memref_slice %arg3[%add3A, %add3A_28, %dma_wait3A_77] : memref<32x82x128xi32, #tpu.memory_space<hbm>> -> memref<1x1x128xi32, #tpu.memory_space<hbm>>
      %dma_wait3A_79 = tpu.memref_squeeze %dma_wait3A_78 : memref<1x1x128xi32, #tpu.memory_space<hbm>> -> memref<128xi32, #tpu.memory_space<hbm>>
      %dma_wait3A_80 = arith.constant 0 : i32
      %dma_wait3A_81 = tpu.memref_slice %arg3[%add3A, %add3A_28, %dma_wait3A_80] : memref<32x82x128xi32, #tpu.memory_space<hbm>> -> memref<1x1x128xi32, #tpu.memory_space<hbm>>
      %dma_wait3A_82 = tpu.memref_squeeze %dma_wait3A_81 : memref<1x1x128xi32, #tpu.memory_space<hbm>> -> memref<128xi32, #tpu.memory_space<hbm>>
      tpu.wait_dma2 semaphore(%arg18 : memref<!tpu.dma_semaphore, #tpu.memory_space<semaphore_mem>>) src(%dma_wait3A_82 : memref<128xi32, #tpu.memory_space<hbm>>) dst(%arg7 : memref<128xi32, #tpu.memory_space<vmem>>)
      %dma_wait3A_83 = arith.constant 0 : i32
      %dma_wait3A_84 = tpu.memref_slice %arg4[%add3A, %add3A_57, %dma_wait3A_83] : memref<32x82x128xi32, #tpu.memory_space<hbm>> -> memref<1x1x128xi32, #tpu.memory_space<hbm>>
      %dma_wait3A_85 = tpu.memref_squeeze %dma_wait3A_84 : memref<1x1x128xi32, #tpu.memory_space<hbm>> -> memref<128xi32, #tpu.memory_space<hbm>>
      %dma_wait3A_86 = arith.constant 0 : i32
      %dma_wait3A_87 = tpu.memref_slice %arg4[%add3A, %add3A_57, %dma_wait3A_86] : memref<32x82x128xi32, #tpu.memory_space<hbm>> -> memref<1x1x128xi32, #tpu.memory_space<hbm>>
      %dma_wait3A_88 = tpu.memref_squeeze %dma_wait3A_87 : memref<1x1x128xi32, #tpu.memory_space<hbm>> -> memref<128xi32, #tpu.memory_space<hbm>>
      tpu.wait_dma2 semaphore(%arg18 : memref<!tpu.dma_semaphore, #tpu.memory_space<semaphore_mem>>) src(%dma_wait3A_88 : memref<128xi32, #tpu.memory_space<hbm>>) dst(%arg9 : memref<128xi32, #tpu.memory_space<vmem>>)
      %dma_wait3A_89 = arith.constant 0 : i32
      %dma_wait3A_90 = tpu.memref_slice %arg3[%add3A, %add3A_44, %dma_wait3A_89] : memref<32x82x128xi32, #tpu.memory_space<hbm>> -> memref<1x1x128xi32, #tpu.memory_space<hbm>>
      %dma_wait3A_91 = tpu.memref_squeeze %dma_wait3A_90 : memref<1x1x128xi32, #tpu.memory_space<hbm>> -> memref<128xi32, #tpu.memory_space<hbm>>
      %dma_wait3A_92 = arith.constant 0 : i32
      %dma_wait3A_93 = tpu.memref_slice %arg3[%add3A, %add3A_44, %dma_wait3A_92] : memref<32x82x128xi32, #tpu.memory_space<hbm>> -> memref<1x1x128xi32, #tpu.memory_space<hbm>>
      %dma_wait3A_94 = tpu.memref_squeeze %dma_wait3A_93 : memref<1x1x128xi32, #tpu.memory_space<hbm>> -> memref<128xi32, #tpu.memory_space<hbm>>
      tpu.wait_dma2 semaphore(%arg19 : memref<!tpu.dma_semaphore, #tpu.memory_space<semaphore_mem>>) src(%dma_wait3A_94 : memref<128xi32, #tpu.memory_space<hbm>>) dst(%arg8 : memref<128xi32, #tpu.memory_space<vmem>>)
      %dma_wait3A_95 = arith.constant 0 : i32
      %dma_wait3A_96 = tpu.memref_slice %arg4[%add3A, %add3A_70, %dma_wait3A_95] : memref<32x82x128xi32, #tpu.memory_space<hbm>> -> memref<1x1x128xi32, #tpu.memory_space<hbm>>
      %dma_wait3A_97 = tpu.memref_squeeze %dma_wait3A_96 : memref<1x1x128xi32, #tpu.memory_space<hbm>> -> memref<128xi32, #tpu.memory_space<hbm>>
      %dma_wait3A_98 = arith.constant 0 : i32
      %dma_wait3A_99 = tpu.memref_slice %arg4[%add3A, %add3A_70, %dma_wait3A_98] : memref<32x82x128xi32, #tpu.memory_space<hbm>> -> memref<1x1x128xi32, #tpu.memory_space<hbm>>
      %dma_wait3A_100 = tpu.memref_squeeze %dma_wait3A_99 : memref<1x1x128xi32, #tpu.memory_space<hbm>> -> memref<128xi32, #tpu.memory_space<hbm>>
      tpu.wait_dma2 semaphore(%arg19 : memref<!tpu.dma_semaphore, #tpu.memory_space<semaphore_mem>>) src(%dma_wait3A_100 : memref<128xi32, #tpu.memory_space<hbm>>) dst(%arg10 : memref<128xi32, #tpu.memory_space<vmem>>)
    }
    %scan3A_10 = arith.constant 40 : i32
    %barrier3A_11 = arith.constant 0 : index
    tpu.barrier barrier_id(%barrier3A_11)
    %mul3A_12 = arith.constant 640 : i32
    %mul3A_13 = arith.muli %arg1, %mul3A_12 : i32
    "tpu.region"() ({
      %run_scoped3A_14 = tpu.sem_alloc : memref<!tpu.dma_semaphore, #tpu.memory_space<semaphore_mem>>
      %dma_start3A = arith.constant 0 : i32
      %dma_start3A_15 = tpu.memref_slice %arg6[%arg0, %mul3A_13, %dma_start3A] : memref<2x10240x128xf32, #tpu.memory_space<hbm>> -> memref<1x640x128xf32, #tpu.memory_space<hbm>>
      %dma_start3A_16 = tpu.memref_squeeze %dma_start3A_15 : memref<1x640x128xf32, #tpu.memory_space<hbm>> -> memref<640x128xf32, #tpu.memory_space<hbm>>
      %dma_start3A_17 = arith.constant 0 : i32
      %dma_start3A_18 = tpu.memref_slice %arg13[%mul3A_13, %dma_start3A_17] : memref<10240x128xf32, #tpu.memory_space<vmem_shared>> -> memref<640x128xf32, #tpu.memory_space<vmem_shared>>
      tpu.enqueue_dma source(%dma_start3A_18 : memref<640x128xf32, #tpu.memory_space<vmem_shared>>) target(%dma_start3A_16 : memref<640x128xf32, #tpu.memory_space<hbm>>) target_semaphore(%run_scoped3A_14 : memref<!tpu.dma_semaphore, #tpu.memory_space<semaphore_mem>>)
      %dma_wait3A = arith.constant 0 : i32
      %dma_wait3A_19 = tpu.memref_slice %arg6[%arg0, %mul3A_13, %dma_wait3A] : memref<2x10240x128xf32, #tpu.memory_space<hbm>> -> memref<1x640x128xf32, #tpu.memory_space<hbm>>
      %dma_wait3A_20 = tpu.memref_squeeze %dma_wait3A_19 : memref<1x640x128xf32, #tpu.memory_space<hbm>> -> memref<640x128xf32, #tpu.memory_space<hbm>>
      %dma_wait3A_21 = arith.constant 0 : i32
      %dma_wait3A_22 = tpu.memref_slice %arg13[%mul3A_13, %dma_wait3A_21] : memref<10240x128xf32, #tpu.memory_space<vmem_shared>> -> memref<640x128xf32, #tpu.memory_space<vmem_shared>>
      tpu.wait_dma2 semaphore(%run_scoped3A_14 : memref<!tpu.dma_semaphore, #tpu.memory_space<semaphore_mem>>) src(%dma_wait3A_22 : memref<640x128xf32, #tpu.memory_space<vmem_shared>>) dst(%dma_wait3A_20 : memref<640x128xf32, #tpu.memory_space<hbm>>)
      tpu.yield
    }) : () -> ()
    return
  }
}

module attributes {stable_mosaic.version = 14 : i64} {
  func.func @_tc_body(%arg0: i32, %arg1: memref<2x512x128xf32, #tpu.memory_space<vmem>>, %arg2: memref<2x512x1xf32, #tpu.memory_space<vmem>>, %arg3: memref<512x128xf32, #tpu.memory_space<vmem>>, %arg4: memref<128x128xf32, #tpu.memory_space<vmem>>, %arg5: memref<128x128xf32, #tpu.memory_space<vmem>>, %arg6: memref<1x128xf32, #tpu.memory_space<vmem>>, %arg7: memref<512x128xf32, #tpu.memory_space<vmem>>) attributes {dimension_semantics = [#tpu.dimension_semantics<arbitrary>], iteration_bounds = array<i64: 20>, scalar_prefetch = 0 : i64, scratch_operands = 0 : i64, tpu.core_type = #tpu.core_type<tc>, window_params = [{transform_indices = @transform_0, window_bounds = array<i64: 2, 512, 128>}, {transform_indices = @transform_1, window_bounds = array<i64: 2, 512, 1>}, {transform_indices = @transform_2, window_bounds = array<i64: 512, 128>}, {pipeline_mode = #tpu.pipeline_mode<synchronous>, transform_indices = @transform_3, window_bounds = array<i64: 128, 128>}, {pipeline_mode = #tpu.pipeline_mode<synchronous>, transform_indices = @transform_4, window_bounds = array<i64: 128, 128>}, {pipeline_mode = #tpu.pipeline_mode<synchronous>, transform_indices = @transform_5, window_bounds = array<i64: 1, 128>}, {transform_indices = @transform_6, window_bounds = array<i64: 512, 128>}]} {
    %get3A = arith.constant 0 : index
    %get3A_0 = arith.constant 0 : index
    %get3A_1 = arith.constant 0 : index
    %get3A_2 = vector.load %arg1[%get3A, %get3A_0, %get3A_1] : memref<2x512x128xf32, #tpu.memory_space<vmem>>, vector<1x512x128xf32>
    %get3A_3 = vector.shape_cast %get3A_2 : vector<1x512x128xf32> to vector<512x128xf32>
    %get3A_4 = arith.constant 1 : index
    %get3A_5 = arith.constant 0 : index
    %get3A_6 = arith.constant 0 : index
    %get3A_7 = vector.load %arg1[%get3A_4, %get3A_5, %get3A_6] : memref<2x512x128xf32, #tpu.memory_space<vmem>>, vector<1x512x128xf32>
    %get3A_8 = vector.shape_cast %get3A_7 : vector<1x512x128xf32> to vector<512x128xf32>
    %add3A = arith.addf %get3A_3, %get3A_8 : vector<512x128xf32>
    %get3A_9 = arith.constant 0 : index
    %get3A_10 = arith.constant 0 : index
    %get3A_11 = arith.constant 0 : index
    %get3A_12 = vector.load %arg2[%get3A_9, %get3A_10, %get3A_11] : memref<2x512x1xf32, #tpu.memory_space<vmem>>, vector<1x512x1xf32>
    %get3A_13 = vector.shape_cast %get3A_12 : vector<1x512x1xf32> to vector<512x1xf32>
    %get3A_14 = arith.constant 1 : index
    %get3A_15 = arith.constant 0 : index
    %get3A_16 = arith.constant 0 : index
    %get3A_17 = vector.load %arg2[%get3A_14, %get3A_15, %get3A_16] : memref<2x512x1xf32, #tpu.memory_space<vmem>>, vector<1x512x1xf32>
    %get3A_18 = vector.shape_cast %get3A_17 : vector<1x512x1xf32> to vector<512x1xf32>
    %add3A_19 = arith.addf %get3A_13, %get3A_18 : vector<512x1xf32>
    %max3A = arith.constant 1.000000e+00 : f32
    %max3A_20 = vector.broadcast %max3A : f32 to vector<512x1xf32>
    %max3A_21 = arith.maximumf %add3A_19, %max3A_20 : vector<512x1xf32>
    %div3A = arith.constant 1.000000e+00 : f32
    %div3A_22 = vector.broadcast %div3A : f32 to vector<512x1xf32>
    %div3A_23 = arith.divf %div3A_22, %max3A_21 : vector<512x1xf32>
    %mul3A = vector.broadcast %div3A_23 : vector<512x1xf32> to vector<512x128xf32>
    %mul3A_24 = arith.mulf %add3A, %mul3A : vector<512x128xf32>
    %get3A_25 = arith.constant 0 : index
    %get3A_26 = arith.constant 0 : index
    %get3A_27 = vector.load %arg4[%get3A_25, %get3A_26] : memref<128x128xf32, #tpu.memory_space<vmem>>, vector<128x128xf32>
    %dot_general3A = arith.constant dense<0.000000e+00> : vector<512x128xf32>
    %dot_general3A_28 = tpu.matmul %mul3A_24, %get3A_27, %dot_general3A {dimension_numbers = #tpu.dot_dimension_numbers<[1], [0], [0], [1], [0, 0, 1, 1], [], []>, transpose_lhs_hint = false} : vector<512x128xf32>, vector<128x128xf32>, vector<512x128xf32> -> vector<512x128xf32>
    %get3A_29 = arith.constant 0 : index
    %get3A_30 = arith.constant 0 : index
    %get3A_31 = vector.load %arg3[%get3A_29, %get3A_30] : memref<512x128xf32, #tpu.memory_space<vmem>>, vector<512x128xf32>
    %get3A_32 = arith.constant 0 : index
    %get3A_33 = arith.constant 0 : index
    %get3A_34 = vector.load %arg5[%get3A_32, %get3A_33] : memref<128x128xf32, #tpu.memory_space<vmem>>, vector<128x128xf32>
    %dot_general3A_35 = arith.constant dense<0.000000e+00> : vector<512x128xf32>
    %dot_general3A_36 = tpu.matmul %get3A_31, %get3A_34, %dot_general3A_35 {dimension_numbers = #tpu.dot_dimension_numbers<[1], [0], [0], [1], [0, 0, 1, 1], [], []>, transpose_lhs_hint = false} : vector<512x128xf32>, vector<128x128xf32>, vector<512x128xf32> -> vector<512x128xf32>
    %add3A_37 = arith.addf %dot_general3A_28, %dot_general3A_36 : vector<512x128xf32>
    %get3A_38 = arith.constant 0 : index
    %get3A_39 = arith.constant 0 : index
    %get3A_40 = vector.load %arg6[%get3A_38, %get3A_39] : memref<1x128xf32, #tpu.memory_space<vmem>>, vector<1x128xf32>
    %add3A_41 = vector.broadcast %get3A_40 : vector<1x128xf32> to vector<512x128xf32>
    %add3A_42 = arith.addf %add3A_37, %add3A_41 : vector<512x128xf32>
    %max3A_43 = arith.constant 0.000000e+00 : f32
    %max3A_44 = vector.broadcast %max3A_43 : f32 to vector<512x128xf32>
    %max3A_45 = arith.maximumf %add3A_42, %max3A_44 : vector<512x128xf32>
    %swap3A = arith.constant 0 : index
    %swap3A_46 = arith.constant 0 : index
    %swap3A_47 = vector.load %arg7[%swap3A, %swap3A_46] : memref<512x128xf32, #tpu.memory_space<vmem>>, vector<512x128xf32>
    tpu.vector_store %arg7[%swap3A, %swap3A_46], %max3A_45 {strides = array<i32>} : memref<512x128xf32, #tpu.memory_space<vmem>>, vector<512x128xf32>,
    return
  }
  func.func @transform_0(%arg0: i32) -> (i32, i32, i32) {
    %c0_i32 = arith.constant 0 : i32
    %c0_i32_0 = arith.constant 0 : i32
    %c0_i32_1 = arith.constant 0 : i32
    return %c0_i32, %arg0, %c0_i32_0 : i32, i32, i32
  }
  func.func @transform_1(%arg0: i32) -> (i32, i32, i32) {
    %c0_i32 = arith.constant 0 : i32
    %c0_i32_0 = arith.constant 0 : i32
    %c0_i32_1 = arith.constant 0 : i32
    return %c0_i32, %arg0, %c0_i32_0 : i32, i32, i32
  }
  func.func @transform_2(%arg0: i32) -> (i32, i32) {
    %c0_i32 = arith.constant 0 : i32
    %c0_i32_0 = arith.constant 0 : i32
    return %arg0, %c0_i32 : i32, i32
  }
  func.func @transform_3(%arg0: i32) -> (i32, i32) {
    %c0_i32 = arith.constant 0 : i32
    %c0_i32_0 = arith.constant 0 : i32
    %c0_i32_1 = arith.constant 0 : i32
    return %c0_i32, %c0_i32_0 : i32, i32
  }
  func.func @transform_4(%arg0: i32) -> (i32, i32) {
    %c0_i32 = arith.constant 0 : i32
    %c0_i32_0 = arith.constant 0 : i32
    %c0_i32_1 = arith.constant 0 : i32
    return %c0_i32, %c0_i32_0 : i32, i32
  }
  func.func @transform_5(%arg0: i32) -> (i32, i32) {
    %c0_i32 = arith.constant 0 : i32
    %c0_i32_0 = arith.constant 0 : i32
    %c0_i32_1 = arith.constant 0 : i32
    return %c0_i32, %c0_i32_0 : i32, i32
  }
  func.func @transform_6(%arg0: i32) -> (i32, i32) {
    %c0_i32 = arith.constant 0 : i32
    %c0_i32_0 = arith.constant 0 : i32
    return %arg0, %c0_i32 : i32, i32
  }
}

module attributes {stable_mosaic.version = 14 : i64} {
  func.func @_tc_body(%arg0: i32, %arg1: memref<2x512x128xf32, #tpu.memory_space<vmem>>, %arg2: memref<2x512x1xf32, #tpu.memory_space<vmem>>, %arg3: memref<512x128xf32, #tpu.memory_space<vmem>>, %arg4: memref<128x128xf32, #tpu.memory_space<vmem>>, %arg5: memref<128x128xf32, #tpu.memory_space<vmem>>, %arg6: memref<1x128xf32, #tpu.memory_space<vmem>>, %arg7: memref<512x128xf32, #tpu.memory_space<vmem>>) attributes {dimension_semantics = [#tpu.dimension_semantics<arbitrary>], iteration_bounds = array<i64: 20>, scalar_prefetch = 0 : i64, scratch_operands = 0 : i64, tpu.core_type = #tpu.core_type<tc>, window_params = [{transform_indices = @transform_0, window_bounds = array<i64: 2, 512, 128>}, {transform_indices = @transform_1, window_bounds = array<i64: 2, 512, 1>}, {transform_indices = @transform_2, window_bounds = array<i64: 512, 128>}, {pipeline_mode = #tpu.pipeline_mode<synchronous>, transform_indices = @transform_3, window_bounds = array<i64: 128, 128>}, {pipeline_mode = #tpu.pipeline_mode<synchronous>, transform_indices = @transform_4, window_bounds = array<i64: 128, 128>}, {pipeline_mode = #tpu.pipeline_mode<synchronous>, transform_indices = @transform_5, window_bounds = array<i64: 1, 128>}, {transform_indices = @transform_6, window_bounds = array<i64: 512, 128>}]} {
    %get3A = arith.constant 0 : index
    %get3A_0 = arith.constant 0 : index
    %get3A_1 = arith.constant 0 : index
    %get3A_2 = vector.load %arg1[%get3A, %get3A_0, %get3A_1] : memref<2x512x128xf32, #tpu.memory_space<vmem>>, vector<1x512x128xf32>
    %get3A_3 = vector.shape_cast %get3A_2 : vector<1x512x128xf32> to vector<512x128xf32>
    %get3A_4 = arith.constant 1 : index
    %get3A_5 = arith.constant 0 : index
    %get3A_6 = arith.constant 0 : index
    %get3A_7 = vector.load %arg1[%get3A_4, %get3A_5, %get3A_6] : memref<2x512x128xf32, #tpu.memory_space<vmem>>, vector<1x512x128xf32>
    %get3A_8 = vector.shape_cast %get3A_7 : vector<1x512x128xf32> to vector<512x128xf32>
    %add3A = arith.addf %get3A_3, %get3A_8 : vector<512x128xf32>
    %get3A_9 = arith.constant 0 : index
    %get3A_10 = arith.constant 0 : index
    %get3A_11 = arith.constant 0 : index
    %get3A_12 = vector.load %arg2[%get3A_9, %get3A_10, %get3A_11] : memref<2x512x1xf32, #tpu.memory_space<vmem>>, vector<1x512x1xf32>
    %get3A_13 = vector.shape_cast %get3A_12 : vector<1x512x1xf32> to vector<512x1xf32>
    %get3A_14 = arith.constant 1 : index
    %get3A_15 = arith.constant 0 : index
    %get3A_16 = arith.constant 0 : index
    %get3A_17 = vector.load %arg2[%get3A_14, %get3A_15, %get3A_16] : memref<2x512x1xf32, #tpu.memory_space<vmem>>, vector<1x512x1xf32>
    %get3A_18 = vector.shape_cast %get3A_17 : vector<1x512x1xf32> to vector<512x1xf32>
    %add3A_19 = arith.addf %get3A_13, %get3A_18 : vector<512x1xf32>
    %max3A = arith.constant 1.000000e+00 : f32
    %max3A_20 = vector.broadcast %max3A : f32 to vector<512x1xf32>
    %max3A_21 = arith.maximumf %add3A_19, %max3A_20 : vector<512x1xf32>
    %div3A = arith.constant 1.000000e+00 : f32
    %div3A_22 = vector.broadcast %div3A : f32 to vector<512x1xf32>
    %div3A_23 = arith.divf %div3A_22, %max3A_21 : vector<512x1xf32>
    %mul3A = vector.broadcast %div3A_23 : vector<512x1xf32> to vector<512x128xf32>
    %mul3A_24 = arith.mulf %add3A, %mul3A : vector<512x128xf32>
    %get3A_25 = arith.constant 0 : index
    %get3A_26 = arith.constant 0 : index
    %get3A_27 = vector.load %arg4[%get3A_25, %get3A_26] : memref<128x128xf32, #tpu.memory_space<vmem>>, vector<128x128xf32>
    %dot_general3A = arith.constant dense<0.000000e+00> : vector<512x128xf32>
    %dot_general3A_28 = tpu.matmul %mul3A_24, %get3A_27, %dot_general3A {dimension_numbers = #tpu.dot_dimension_numbers<[1], [0], [0], [1], [0, 0, 1, 1], [], []>, transpose_lhs_hint = false} : vector<512x128xf32>, vector<128x128xf32>, vector<512x128xf32> -> vector<512x128xf32>
    %get3A_29 = arith.constant 0 : index
    %get3A_30 = arith.constant 0 : index
    %get3A_31 = vector.load %arg3[%get3A_29, %get3A_30] : memref<512x128xf32, #tpu.memory_space<vmem>>, vector<512x128xf32>
    %get3A_32 = arith.constant 0 : index
    %get3A_33 = arith.constant 0 : index
    %get3A_34 = vector.load %arg5[%get3A_32, %get3A_33] : memref<128x128xf32, #tpu.memory_space<vmem>>, vector<128x128xf32>
    %dot_general3A_35 = arith.constant dense<0.000000e+00> : vector<512x128xf32>
    %dot_general3A_36 = tpu.matmul %get3A_31, %get3A_34, %dot_general3A_35 {dimension_numbers = #tpu.dot_dimension_numbers<[1], [0], [0], [1], [0, 0, 1, 1], [], []>, transpose_lhs_hint = false} : vector<512x128xf32>, vector<128x128xf32>, vector<512x128xf32> -> vector<512x128xf32>
    %add3A_37 = arith.addf %dot_general3A_28, %dot_general3A_36 : vector<512x128xf32>
    %get3A_38 = arith.constant 0 : index
    %get3A_39 = arith.constant 0 : index
    %get3A_40 = vector.load %arg6[%get3A_38, %get3A_39] : memref<1x128xf32, #tpu.memory_space<vmem>>, vector<1x128xf32>
    %add3A_41 = vector.broadcast %get3A_40 : vector<1x128xf32> to vector<512x128xf32>
    %add3A_42 = arith.addf %add3A_37, %add3A_41 : vector<512x128xf32>
    %swap3A = arith.constant 0 : index
    %swap3A_43 = arith.constant 0 : index
    %swap3A_44 = vector.load %arg7[%swap3A, %swap3A_43] : memref<512x128xf32, #tpu.memory_space<vmem>>, vector<512x128xf32>
    tpu.vector_store %arg7[%swap3A, %swap3A_43], %add3A_42 {strides = array<i32>} : memref<512x128xf32, #tpu.memory_space<vmem>>, vector<512x128xf32>,
    return
  }
  func.func @transform_0(%arg0: i32) -> (i32, i32, i32) {
    %c0_i32 = arith.constant 0 : i32
    %c0_i32_0 = arith.constant 0 : i32
    %c0_i32_1 = arith.constant 0 : i32
    return %c0_i32, %arg0, %c0_i32_0 : i32, i32, i32
  }
  func.func @transform_1(%arg0: i32) -> (i32, i32, i32) {
    %c0_i32 = arith.constant 0 : i32
    %c0_i32_0 = arith.constant 0 : i32
    %c0_i32_1 = arith.constant 0 : i32
    return %c0_i32, %arg0, %c0_i32_0 : i32, i32, i32
  }
  func.func @transform_2(%arg0: i32) -> (i32, i32) {
    %c0_i32 = arith.constant 0 : i32
    %c0_i32_0 = arith.constant 0 : i32
    return %arg0, %c0_i32 : i32, i32
  }
  func.func @transform_3(%arg0: i32) -> (i32, i32) {
    %c0_i32 = arith.constant 0 : i32
    %c0_i32_0 = arith.constant 0 : i32
    %c0_i32_1 = arith.constant 0 : i32
    return %c0_i32, %c0_i32_0 : i32, i32
  }
  func.func @transform_4(%arg0: i32) -> (i32, i32) {
    %c0_i32 = arith.constant 0 : i32
    %c0_i32_0 = arith.constant 0 : i32
    %c0_i32_1 = arith.constant 0 : i32
    return %c0_i32, %c0_i32_0 : i32, i32
  }
  func.func @transform_5(%arg0: i32) -> (i32, i32) {
    %c0_i32 = arith.constant 0 : i32
    %c0_i32_0 = arith.constant 0 : i32
    %c0_i32_1 = arith.constant 0 : i32
    return %c0_i32, %c0_i32_0 : i32, i32
  }
  func.func @transform_6(%arg0: i32) -> (i32, i32) {
    %c0_i32 = arith.constant 0 : i32
    %c0_i32_0 = arith.constant 0 : i32
    return %arg0, %c0_i32 : i32, i32
  }
}

</mosaic_0001>

<sc_bundles>
// kernel: _run.10.cloned.1.call-start
scs
__scs_entry_jumppad:
0x0: {  	(pc) =	sbr.rel $0x88, $3  }
0x1: {  	(tag) =	ssettag $0x0;
	lr =	simm.s32 $0x1  }
0x2: {  	[smem:$0x3F99] =	sst lr;
	_ =	strace $0xD0000000  }
0x3: {  	_ = 	snop  }
0x4: {  	_ = 	snop  }
0x5: {  	_ = 	snop  }
0x6: {  	_ = 	snop  }
0x7: {  	_ = 	snop  }
__scs_overlays_trampoline_lowered:
0x8: {  	[smem:$0x3FA8] =	sst s0  }
0x9: {  	[smem:$0x3FA9] =	sst s1  }
0xa: {  	[smem:$0x3FAA] =	sst s2  }
0xb: {  	[smem:$0x3FAB] =	sst s3  }
0xc: {  	[smem:$0x3FAC] =	sst s4  }
0xd: {  	[smem:$0x3FAD] =	sst s5  }
0xe: {  	[smem:$0x3FAE] =	sst s6  }
0xf: {  	[smem:$0x3FAF] =	sst s7  }
0x10: {  	[smem:$0x3FB0] =	sst s8  }
0x11: {  	[smem:$0x3FB1] =	sst s9;
	s0 =	simm.s32 @!p0 $0x0  }
0x12: {  	s1 =	sld [smem:$0x3F97];
	s0 =	simm.s32 @p0 $0x1  }
0x13: {  	[smem:$0x3FB2] =	sst s0;
	s0 =	simm.s32 @!p1 $0x0  }
0x14: {  	s2 =	sld [smem:$0x3F96];
	s0 =	simm.s32 @p1 $0x1  }
0x15: {  	[smem:$0x3FB3] =	sst s0;
	s0 =	simm.s32 @!p2 $0x0  }
0x16: {  	s3 =	sld [smem:$0x3FDB];
	s0 =	simm.s32 @p2 $0x1  }
0x17: {  	s4 =	simm.s32 $0x1BF5;
	[smem:$0x3FB5] =	sst s0  }
0x18: {  	s0 =	sld [smem:$0x3F98];
	_ =	swait.ge [sflag:s4], $0x0  }
0x19: {  	s7 =	sld [smem:$0x3F99]  }
0x1a: {  	s8 =	sadd.s32 $0xFFFFE003, lr  }
0x1b: {  	s9 =	sadd.s32 $0xFFFFFEF7, lr;
	s5 =	simm.s32 $0xFFFFFFFF;
	p2 =	slt.u32 s8, $0xFFFFF086  }
0x1c: {  	p1 =	slt.u32 s9, $0xF7A;
	s5 =	simm.s32 @!p2 $0x0  }
0x1d: {  	s5 =	simm.s32 @p1 $0x1;
	p0 =	seq.s32 s7, s2  }
0x1e: {  	s7 =	smul.u32 @!p0 $0xF7A, s2;
	p2 =	seq.s32 @!p0 s5, $0x0  }
0x1f: {  	s9 =	smul.u32 $0xF7A, s1;
	s8 =	simm.s32 @!p0 $0x1BF5;
	p2 =	por !p2, p0  }
0x20: {  	[sflag:s8] =	ssyncset.s32 @!p0 $0xFFFFF086;
	s6 =	sadd.s32 @!p0 s3, s7;
	s7 =	simm.s32 @!p0 $0x108  }
0x21: {  	s3 =	sadd.s32 s3, s9;
	s6 =	sadd.s32 @!p0 $0x88, s6;
	s7 =	simm.s32 @p2 $0x1082  }
0x22: {  	[simem:s7], [sflag:s8] =	dma.local @!p0 [hbm:s6], $0xF7A  }
0x23: {  	s9 =	sor.u32 $0xD0000000, s2;
	s6 =	simm.s32 $0x108;
	_ =	swait.ge @!p0 [sflag:s8], $0x0  }
0x24: {  	s3 =	sadd.s32 $0x88, s3;
	s6 =	simm.s32 @!p1 $0x1082;
	[sflag:s4] =	ssyncset.s32 $0xFFFFF086  }
0x25: {  	[simem:s6], [sflag:s4] =	dma.local [hbm:s3], $0xF7A  }
0x26: {  	[smem:$0x3F99] =	sst s1;
	(tag) =	ssettag s2;
	_ =	strace s9  }
0x27: {  	s1 =	sld [smem:$0x3FA9]  }
0x28: {  	s2 =	sld [smem:$0x3FAA]  }
0x29: {  	s4 =	sld [smem:$0x3FAC]  }
0x2a: {  	p0 =	seq.s32 s5, $0x0;
	s5 =	sld [smem:$0x3FAD]  }
0x2b: {  	s6 =	sld [smem:$0x3FAE]  }
0x2c: {  	s7 =	sld [smem:$0x3FAF]  }
0x2d: {  	s3 =	simm.s32 $0x108;
	s8 =	sld [smem:$0x3FB0]  }
0x2e: {  	s3 =	simm.s32 @!p0 $0x1082;
	s9 =	sld [smem:$0x3FB1]  }
0x2f: {  	lr =	sadd.s32 s0, s3;
	s0 =	sld [smem:$0x3FA8]  }
0x30: {  	s3 =	sld [smem:$0x3FAB]  }
0x31: {  	[smem:$0x3FB4] =	sst s10  }
0x32: {  	s10 =	sld [smem:$0x3FB2];
	_ =	sdelay $0x3  }
0x33: {  	p0 =	seq.s32 s10, $0x1;
	s10 =	sld [smem:$0x3FB4];
	_ =	sdelay $0x3  }
0x34: {  	[smem:$0x3FB4] =	sst s10  }
0x35: {  	s10 =	sld [smem:$0x3FB3];
	_ =	sdelay $0x3  }
0x36: {  	p1 =	seq.s32 s10, $0x1;
	s10 =	sld [smem:$0x3FB4];
	_ =	sdelay $0x3  }
0x37: {  	[smem:$0x3FB4] =	sst s10  }
0x38: {  	s10 =	sld [smem:$0x3FB5]  }
0x39: {  	_ = 	snop;
	(pc) =	sbr.ind lr, $3  }
0x3a: {  	_ = 	snop  }
0x3b: {  	_ = 	snop  }
0x3c: {  	p2 =	seq.s32 s10, $0x1;
	s10 =	sld [smem:$0x3FB4]  }
0x3d: {  	_ =	shalt  }
0x3e: {  	_ =	shalt  }
0x3f: {  	_ =	shalt  }
0x40: {  	_ =	shalt  }
0x41: {  	_ =	shalt  }
0x42: {  	_ =	shalt  }
0x43: {  	_ =	shalt  }
0x44: {  	_ =	shalt  }
0x45: {  	_ =	shalt  }
0x46: {  	_ =	shalt  }
0x47: {  	_ =	shalt  }
0x48: {  	_ =	shalt  }
0x49: {  	_ =	shalt  }
0x4a: {  	_ =	shalt  }
0x4b: {  	_ =	shalt  }
0x4c: {  	_ =	shalt  }
0x4d: {  	_ =	shalt  }
0x4e: {  	_ =	shalt  }
0x4f: {  	_ =	shalt  }
0x50: {  	_ =	shalt  }
0x51: {  	_ =	shalt  }
0x52: {  	_ =	shalt  }
0x53: {  	_ =	shalt  }
0x54: {  	_ =	shalt  }
0x55: {  	_ =	shalt  }
0x56: {  	_ =	shalt  }
0x57: {  	_ =	shalt  }
0x58: {  	_ =	shalt  }
0x59: {  	_ =	shalt  }
0x5a: {  	_ =	shalt  }
0x5b: {  	_ =	shalt  }
0x5c: {  	_ =	shalt  }
0x5d: {  	_ =	shalt  }
0x5e: {  	_ =	shalt  }
0x5f: {  	_ =	shalt  }
0x60: {  	_ =	shalt  }
0x61: {  	_ =	shalt  }
0x62: {  	_ =	shalt  }
0x63: {  	_ =	shalt  }
0x64: {  	_ =	shalt  }
0x65: {  	_ =	shalt  }
0x66: {  	_ =	shalt  }
0x67: {  	_ =	shalt  }
0x68: {  	_ =	shalt  }
0x69: {  	_ =	shalt  }
0x6a: {  	_ =	shalt  }
0x6b: {  	_ =	shalt  }
0x6c: {  	_ =	shalt  }
0x6d: {  	_ =	shalt  }
0x6e: {  	_ =	shalt  }
0x6f: {  	_ =	shalt  }
0x70: {  	_ =	shalt  }
0x71: {  	_ =	shalt  }
0x72: {  	_ =	shalt  }
0x73: {  	_ =	shalt  }
0x74: {  	_ =	shalt  }
0x75: {  	_ =	shalt  }
0x76: {  	_ =	shalt  }
0x77: {  	_ =	shalt  }
0x78: {  	_ =	shalt  }
0x79: {  	_ =	shalt  }
0x7a: {  	_ =	shalt  }
0x7b: {  	_ =	shalt  }
0x7c: {  	_ =	shalt  }
0x7d: {  	_ =	shalt  }
0x7e: {  	_ =	shalt  }
0x7f: {  	_ =	shalt  }
0x80: {  	_ =	shalt  }
0x81: {  	_ =	shalt  }
0x82: {  	_ =	shalt  }
0x83: {  	_ =	shalt  }
0x84: {  	_ =	shalt  }
0x85: {  	_ =	shalt  }
0x86: {  	_ =	shalt  }
0x87: {  	_ =	shalt  }
.Lfunc_end0:
.L_simem_size_0:
called_computation.1_lowered:
.L_overlay_start_0:
0x88: {  	s2 =	sld [smem:$0x3FD9]  }
0x89: {  	s3 =	sld [smem:$0x3FFE];
	_ =	sdelay $0x1  }
0x8a: {  	s1 =	srdreg.scid  }
0x8b: {  	s0 =	sand.u32 $0x1, s1  }
0x8c: {  	s17 =	sshll.u32 s0, $0xA;
	s2 =	sadd.s32 s3, s2  }
0x8d: {  	s2 =	sadd.s32 s2, s17  }
0x8e: {  	[smem:$0x3FC0] =	sst s2  }
0x8f: {  	_ = 	snop  }
0x90: {  	s18 =	sld [smem:$0x3FD0];
	(tm) =	ssettm $0x1  }
0x91: {  	s19 =	sld [smem:$0x3FFB];
	_ =	sdelay $0x3  }
0x92: {  	_ =	strace s19  }
0x93: {  	s2 =	sld [smem:$0x3FFC];
	_ =	sdelay $0x3  }
0x94: {  	_ =	strace s2  }
0x95: {  	s2 =	sld [smem:$0x3FFD];
	_ =	sdelay $0x3  }
0x96: {  	_ =	strace s2  }
0x97: {  	_ =	strace $0x8FFFFFFF  }
0x98: {  	s20 =	sld [smem:$0x3FDB];
	_ =	sdelay $0x1  }
0x99: {  	s4 =	simm.s32 $_scs_section_size  }
0x9a: {  	s5 =	simm.s32 $_size__tile_overlayer_lowered;
	s6 =	simm.s32 $_tile_overlayer_lowered  }
0x9b: {  	s7 =	simm.s32 $0x1BFF;
	s21 =	sshll.u32 s6, $0x1;
	s4 =	sadd.s32 s4, s20  }
0x9c: {  	s22 =	simm.s32 $0x0;
	s5 =	sshll.u32 s5, $0x1;
	s6 =	sadd.s32 s21, s4  }
0x9d: {  	[timem:s22], [sflag:s7] =	dma.local [hbm:s6], s5  }
0x9e: {  	_ =	swait.ge [sflag:s7], s5  }
0x9f: {  	s5 =	ssub.s32 $0x0, s5;
	[sflag:s7] =	ssyncset.done $0x0  }
0xa0: {  	[sflag:s7] =	ssyncadd.s32 s5;
	_ =	sdelay $0x1  }
0xa1: {  	s23 =	simm.s32 $0x1B8B  }
0xa2: {  	_ =	swait.ge [sflag:s23], $0x1  }
0xa3: {  	[sflag:s23] =	ssyncset.done $0x0  }
0xa4: {  	[sflag:s23] =	ssyncadd.s32 $0xFFFFFFFF  }
0xa5: {  	s5 =	sld [smem:$0x0]  }
0xa6: {  	s6 =	sand.u32 $0xFFFFFFFE, s1  }
0xa7: {  	p0 =	sne.s32 s1, s6  }
0xa8: {  	s6 =	sshll.u32 @p0 s6, $0xE  }
0xa9: {  	s6 =	sadd.s32 @p0 $0x11B8D, s6;
	s7 =	sshll.u32 @p0 s5, $0x11  }
0xaa: {  	s6 =	sor.u32 @p0 s7, s6  }
0xab: {  	[sflag:s6] =	ssyncadd.remote.s32 @p0 $0x1;
	_ =	sdelay $0x1  }
0xac: {  	s6 =	simm.s32 @p0 $0x1B8D  }
0xad: {  	_ =	swait.eq @p0 [sflag:s6], $0x1  }
0xae: {  	[sflag:s6] =	ssyncadd.s32 @p0 $0xFFFFFFFF  }
0xaf: {  	s7 =	sshll.u32 @!p0 s1, $0xE  }
0xb0: {  	s7 =	sor.u32 @!p0 $0x4000, s7;
	s6 =	simm.s32 @!p0 $0x1B8D  }
0xb1: {  	s5 =	sshll.u32 @!p0 s5, $0x11;
	s7 =	sadd.s32 @!p0 $0x11B8D, s7;
	_ =	swait.eq @!p0 [sflag:s6], $0x1  }
0xb2: {  	s5 =	sor.u32 @!p0 s5, s7;
	[sflag:s6] =	ssyncadd.s32 @!p0 $0xFFFFFFFF  }
0xb3: {  	s25 =	simm.s32 $0x1B8E;
	s24 =	sld [smem:$0x3FFE];
	[sflag:s5] =	ssyncadd.remote.s32 @!p0 $0x1  }
0xb4: {  	s26 =	simm.s32 $execute0_lowered;
	[smem:$0x3FD2] =	sst s25  }
0xb5: {  	s6 =	sshll.u32 s26, $0x1;
	_ =	strace $0x80000049;
	[dreg:$0x1] =	wrdreg $0xFFFFFFFF  }
0xb6: {  	s28 =	simm.s32 $_size_execute0_lowered;
	s4 =	sadd.s32 s4, s6;
	[dreg:$0x0] =	wrdreg $0x0  }
0xb7: {  	s6 =	sshll.u32 s28, $0x1;
	[dreg:$0x2] =	wrdreg s4  }
0xb8: {  	[dreg:$0x3] =	wrdreg s6  }
0xb9: {  	[dreg:$0x4] =	wrdreg $0xC0  }
0xba: {  	_ =	task [dreg:s22], $0x5FFFF  }
0xbb: {  	[dreg:$0x1] =	wrdreg $0xFFFFFFFF  }
0xbc: {  	[dreg:$0x0] =	wrdreg $0x60  }
0xbd: {  	[dreg:$0x2] =	wrdreg s24  }
0xbe: {  	[dreg:$0x3] =	wrdreg s18  }
0xbf: {  	[dreg:$0x4] =	wrdreg $0x82000  }
0xc0: {  	[dreg:$0x5] =	wrdreg $0xA  }
0xc1: {  	_ =	task.clear_ibuf [dreg:s22], $0x6FFFF;
	_ =	strace $0x90000049  }
0xc2: {  	s29 =	simm.s32 $0xA;
	_ =	strace $0x8000004B  }
0xc3: {  	_ =	swait.ge [sflag:s29], $0x1  }
0xc4: {  	[sflag:s29] =	ssyncadd.s32 $0xFFFFFFFF  }
0xc5: {  	_ =	strace $0x9000004B  }
0xc6: {  	_ =	sfence  }
0xc7: {  	s30 =	sld [smem:$0x0];
	_ =	sdelay $0x2  }
0xc8: {  	s31 =	sshll.u32 s1, $0xD;
	s1 =	sshrl.u32 s1, $0x2  }
0xc9: {  	s4 =	sand.u32 $0x4000, s31;
	s1 =	sadd.s32 s1, s30  }
0xca: {  	s0 =	sor.u32 s4, s0;
	s1 =	sshll.u32 s1, $0x11  }
0xcb: {  	s0 =	sor.u32 s1, s0  }
0xcc: {  	s0 =	sadd.s32 $0x8F2B, s0  }
0xcd: {  	[sflag:s0] =	ssyncadd.remote.s32 $0x1  }
0xce: {  	_ =	sfence.sel $0xFFFF  }
0xcf: {  	[dreg:$0x0] =	wrdreg $0xFFFFFFFF;
	(pc) =	sbr.abs _section_cstart, $3  }
0xd0: {  	[dreg:$0x1] =	wrdreg $0xFFFFFFFF  }
0xd1: {  	_ =	task.clear_ibuf [dreg:s22], $0x2FFFF;
	_ =	strace $0x9FFFFFFF  }
0xd2: {  	(tm) =	ssettm $0x7FFFFFFF  }
0xd3: {  	_ =	shalt  }
tec
execute0_lowered:
.L_overlay_start_1:
0x0: {  	(tag) =	ssettag $0x1  }
0x1: {  	s8 =	rddreg [dreg:$0x0]  }
0x2: {  	s1 =	rddreg [dreg:$0x1]  }
0x3: {  	s2 =	rddreg [dreg:$0x2];
	s3 =	srdreg.scid  }
0x4: {  	s4 =	simm.s32 $0x0;
	s0 =	stileid.u32;
	s17 =	simm.s32 $0x7  }
0x5: {  	s18 =	simm.s32 $0x100;
	s19 =	simm.s32 $0x80;
	s20 =	simm.s32 $0x200  }
0x6: {  	s21 =	simm.s32 $0x4200;
	s28 =	simm.s32 $0x5;
	s29 =	simm.s32 $0x6  }
0x7: {  	s30 =	simm.s32 $0x0;
	s9 =	sand.u32 $0x1, s3;
	[smem:$0x7FF] =	sst s4  }
0x8: {  	s10 =	smul.u32 $0x14000, s0;
	s5 =	sadd.s32 $0x18A00, s8;
	s6 =	sadd.s32 $0xDA00, s8  }
0x9: {  	s22 =	sadd.s32 $0x40A00, s8;
	s12 =	smul.u32 $0x50000, s0;
	s25 =	sshll.u32 s0, $0x6  }
0xa: {  	s7 =	smul.u32 $0x140000, s9;
	_ =	strace $0x8000004A;
	[dreg:$0x4] =	wrdreg s22  }
0xb: {  	s11 =	sshll.u32 s9, $0x4;
	s9 =	ssub.s32 $0x2, s9;
	s22 =	simm.s32 $0x1  }
0xc: {  	s11 =	sor.u32 s0, s11;
	s23 =	sshrl.u32 s9, $0x1;
	s10 =	sadd.s32 s10, s7  }
0xd: {  	s24 =	sshrl.u32 s12, $0x2;
	s15 =	ssub.s32 s9, s23;
	s10 =	sshrl.u32 s10, $0x3  }
0xe: {  	s16 =	sadd.s32 s24, s2;
	s14 =	sadd.s32 s10, s8;
	s8 =	smul.u32 $0x2C00, s11  }
0xf: {  	s9 =	sor.u32 $0x1C07, s25;
	s23 =	simm.s32 $0x2;
	s24 =	simm.s32 $0x180  }
0x10: {  	s25 =	simm.s32 $0x3;
	s15 =	smax.u32 s15, $0x1;
	s26 =	sshrl.u32 s8, $0x3  }
0x11: {  	s16 =	sshrl.u32 s16, $0x3;
	s14 =	sadd.s32 $0x43200, s14;
	s31 =	sadd.s32 s1, s26  }
0x12: {  	s11 =	sadd.s32 s6, s26;
	s13 =	sor.u32 $0x10, s26;
	s26 =	simm.s32 $0x4  }
0x13: {  	[dreg:$0x5] =	wrdreg s31;
	s12 =	sadd.s32 s1, s13;
	s13 =	sadd.s32 s6, s13  }
.LBB2_1:
0x14: {  	s0 =	rddreg [dreg:$0x4]  }
0x15: {  	[spmem:s16], [sflag:s9] =	dma.local [hbm:s0], $0x2800  }
0x16: {  	_ =	swait.ge [sflag:s17], $0x2800  }
0x17: {  	[sflag:s17] =	ssyncset.done $0x0  }
0x18: {  	s3 =	rddreg [dreg:$0x5];
	[sflag:s17] =	ssyncadd.s32 $0xFFFFD800  }
0x19: {  	[tilespmem:s4], [sflag:$0x7] =	stream.linear.gather [hbm4b:s3+s4], $0x80, $0x38;
	[tilespmem:$0x1C200] =	vst v63  }
0x1a: {  	_ =	swait.ge [sflag:s17], $0x80  }
0x1b: {  	[sflag:s17] =	ssyncset.done $0x0  }
0x1c: {  	[sflag:s17] =	ssyncadd.s32 $0xFFFFFF80  }
0x1d: {  	[tilespmem:s18], [sflag:$0x7] =	stream.linear.gather [hbm4b:s11+s4], $0x80, $0x38;
	[tilespmem:$0x1C200] =	vst v63  }
0x1e: {  	_ =	swait.ge [sflag:s17], $0x80  }
0x1f: {  	[sflag:s17] =	ssyncset.done $0x0  }
0x20: {  	[sflag:s17] =	ssyncadd.s32 $0xFFFFFF80  }
0x21: {  	[tilespmem:s19], [sflag:$0x7] =	stream.linear.gather [hbm4b:s12+s4], $0x80, $0x38;
	[tilespmem:$0x1C200] =	vst v63  }
0x22: {  	_ =	swait.ge [sflag:s17], $0x80  }
0x23: {  	[sflag:s17] =	ssyncset.done $0x0  }
0x24: {  	[sflag:s17] =	ssyncadd.s32 $0xFFFFFF80  }
0x25: {  	[tilespmem:s24], [sflag:$0x7] =	stream.linear.gather [hbm4b:s13+s4], $0x80, $0x38;
	[tilespmem:$0x1C200] =	vst v63  }
0x26: {  	_ =	swait.ge [sflag:s17], $0x80  }
0x27: {  	[sflag:s17] =	ssyncset.done $0x0  }
0x28: {  	[sflag:s17] =	ssyncadd.s32 $0xFFFFFF80  }
0x29: {  	s31 =	simm.s32 $0x100;
	[bflag:$0x0] =	sbarrier.arrive $0xFFFF  }
0x2a: {  	[tilespmem:s20], [sflag:$0x1] =	stream.indirect.gather [hbm4b:s5+s19], $0x80, s4, s19, $0xb8;
	[tilespmem:$0x1C200] =	vst v63  }
0x2b: {  	s7 =	sand.u32 $0x7C00, s31  }
0x2c: {  	[tilespmem:s21], [sflag:$0x2] =	stream.indirect.gather [hbm4b:s5+s19], $0x80, s19, s19, $0xb8;
	[tilespmem:$0x1C200] =	vst v63  }
0x2d: {  	s31 =	sand.u32 $0x300, s31;
	s0 =	sadd.s32 s8, s7;
	_ =	swait.ge [sflag:s22], $0x4000  }
0x2e: {  	s0 =	sor.u32 s31, s0;
	[sflag:s22] =	ssyncset.done $0x0  }
0x2f: {  	s0 =	sshrl.u32 s0, $0x3;
	[sflag:s22] =	ssyncadd.s32 $0xFFFFC000  }
0x30: {  	[spmem:s2] =	stream.indirect.scatter.add.f32 [tilespmem:s20], [sflag:$0x3], $0x80, s18, s19, $0xb8;
	[tilespmem:$0x1C200] =	vst v63  }
0x31: {  	s31 =	sadd.s32 s1, s0;
	s3 =	sand.u32 $0x7C00, s24  }
0x32: {  	[tilespmem:s4], [sflag:$0x5] =	stream.linear.gather [hbm4b:s31+s4], $0x80, $0x38;
	[tilespmem:$0x1C200] =	vst v63  }
0x33: {  	s3 =	sadd.s32 s8, s3;
	s31 =	sand.u32 $0x380, s24;
	_ =	swait.ge [sflag:s23], $0x4000  }
0x34: {  	s3 =	sor.u32 s31, s3;
	[sflag:s23] =	ssyncset.done $0x0  }
0x35: {  	s3 =	sshrl.u32 s3, $0x3;
	[sflag:s23] =	ssyncadd.s32 $0xFFFFC000  }
0x36: {  	[spmem:s2] =	stream.indirect.scatter.add.f32 [tilespmem:s21], [sflag:$0x4], $0x80, s24, s19, $0xb8;
	[tilespmem:$0x1C200] =	vst v63  }
0x37: {  	s31 =	sadd.s32 s1, s3  }
0x38: {  	[tilespmem:s19], [sflag:$0x6] =	stream.linear.gather [hbm4b:s31+s4], $0x80, $0x38;
	[tilespmem:$0x1C200] =	vst v63  }
0x39: {  	_ =	swait.ge [sflag:s25], $0x4000  }
0x3a: {  	[sflag:s25] =	ssyncset.done $0x0  }
0x3b: {  	s0 =	sadd.s32 s6, s0;
	[sflag:s25] =	ssyncadd.s32 $0xFFFFC000  }
0x3c: {  	[tilespmem:s18], [sflag:$0x5] =	stream.linear.gather [hbm4b:s0+s4], $0x80, $0x38;
	[tilespmem:$0x1C200] =	vst v63  }
0x3d: {  	_ =	swait.ge [sflag:s26], $0x4000  }
0x3e: {  	[sflag:s26] =	ssyncset.done $0x0  }
0x3f: {  	s10 =	sadd.s32 s6, s3;
	[sflag:s26] =	ssyncadd.s32 $0xFFFFC000  }
0x40: {  	[tilespmem:s24], [sflag:$0x6] =	stream.linear.gather [hbm4b:s10+s4], $0x80, $0x38;
	[tilespmem:$0x1C200] =	vst v63  }
0x41: {  	_ =	swait.ge [sflag:s28], $0x80  }
0x42: {  	[sflag:s28] =	ssyncset.done $0x0  }
0x43: {  	[sflag:s28] =	ssyncadd.s32 $0xFFFFFF80  }
0x44: {  	_ =	swait.ge [sflag:s28], $0x80  }
0x45: {  	[sflag:s28] =	ssyncset.done $0x0  }
0x46: {  	s31 =	simm.s32 $0x280;
	[sflag:s28] =	ssyncadd.s32 $0xFFFFFF80  }
.LBB2_2:
0x47: {  	p0 =	sne.s32 s31, $0x2880  }
0x48: {  	_ =	swait.ge [sflag:s29], $0x80;
	s0 =	smov.u32 s31;
	s31 =	sadd.s32 $0x100, s31  }
0x49: {  	[sflag:s29] =	ssyncset.done $0x0  }
0x4a: {  	[sflag:s29] =	ssyncadd.s32 $0xFFFFFF80  }
0x4b: {  	s3 =	sadd.s32 $0xFFFFFF80, s0;
	_ =	swait.ge [sflag:s29], $0x80  }
0x4c: {  	s7 =	sand.u32 $0x7C00, s3;
	s3 =	sand.u32 $0x300, s3;
	[sflag:s29] =	ssyncset.done $0x0  }
0x4d: {  	s7 =	sadd.s32 s8, s7;
	[sflag:s29] =	ssyncadd.s32 $0xFFFFFF80  }
0x4e: {  	[tilespmem:s20], [sflag:$0x1] =	stream.indirect.gather [hbm4b:s5+s19], $0x80, s4, s19, $0xb8;
	[tilespmem:$0x1C200] =	vst v63  }
0x4f: {  	s3 =	sor.u32 s3, s7  }
0x50: {  	[tilespmem:s21], [sflag:$0x2] =	stream.indirect.gather [hbm4b:s5+s19], $0x80, s19, s19, $0xb8;
	[tilespmem:$0x1C200] =	vst v63  }
0x51: {  	s3 =	sshrl.u32 s3, $0x3;
	_ =	swait.ge [sflag:s22], $0x4000  }
0x52: {  	[sflag:s22] =	ssyncset.done $0x0  }
0x53: {  	[sflag:s22] =	ssyncadd.s32 $0xFFFFC000  }
0x54: {  	[spmem:s2] =	stream.indirect.scatter.add.f32 [tilespmem:s20], [sflag:$0x3], $0x80, s18, s19, $0xb8;
	[tilespmem:$0x1C200] =	vst v63  }
0x55: {  	s10 =	sand.u32 $0x7C00, s0;
	s7 =	sadd.s32 s1, s3  }
0x56: {  	[tilespmem:s4], [sflag:$0x5] =	stream.linear.gather [hbm4b:s7+s4], $0x80, $0x38;
	[tilespmem:$0x1C200] =	vst v63  }
0x57: {  	s0 =	sand.u32 $0x380, s0;
	s7 =	sadd.s32 s8, s10;
	_ =	swait.ge [sflag:s23], $0x4000  }
0x58: {  	s0 =	sor.u32 s0, s7;
	[sflag:s23] =	ssyncset.done $0x0  }
0x59: {  	s0 =	sshrl.u32 s0, $0x3;
	[sflag:s23] =	ssyncadd.s32 $0xFFFFC000  }
0x5a: {  	[spmem:s2] =	stream.indirect.scatter.add.f32 [tilespmem:s21], [sflag:$0x4], $0x80, s24, s19, $0xb8;
	[tilespmem:$0x1C200] =	vst v63  }
0x5b: {  	s7 =	sadd.s32 s1, s0  }
0x5c: {  	[tilespmem:s19], [sflag:$0x6] =	stream.linear.gather [hbm4b:s7+s4], $0x80, $0x38;
	[tilespmem:$0x1C200] =	vst v63  }
0x5d: {  	_ =	swait.ge [sflag:s25], $0x4000  }
0x5e: {  	s3 =	sadd.s32 s6, s3;
	[sflag:s25] =	ssyncset.done $0x0  }
0x5f: {  	[sflag:s25] =	ssyncadd.s32 $0xFFFFC000  }
0x60: {  	[tilespmem:s18], [sflag:$0x5] =	stream.linear.gather [hbm4b:s3+s4], $0x80, $0x38;
	[tilespmem:$0x1C200] =	vst v63  }
0x61: {  	_ =	swait.ge [sflag:s26], $0x4000  }
0x62: {  	s0 =	sadd.s32 s6, s0;
	[sflag:s26] =	ssyncset.done $0x0  }
0x63: {  	[sflag:s26] =	ssyncadd.s32 $0xFFFFC000  }
0x64: {  	[tilespmem:s24], [sflag:$0x6] =	stream.linear.gather [hbm4b:s0+s4], $0x80, $0x38;
	[tilespmem:$0x1C200] =	vst v63  }
0x65: {  	_ =	swait.ge [sflag:s28], $0x80  }
.Ltmp0:
0x66: {  	[sflag:s28] =	ssyncset.done $0x0;
	(pc) =	sbr.rel @p0 .LBB2_2-.Ltmp0, $4  }
0x67: {  	[sflag:s28] =	ssyncadd.s32 $0xFFFFFF80  }
0x68: {  	_ =	swait.ge [sflag:s28], $0x80  }
0x69: {  	[sflag:s28] =	ssyncset.done $0x0  }
0x6a: {  	[sflag:s28] =	ssyncadd.s32 $0xFFFFFF80  }
0x6b: {  	_ =	swait.ge [sflag:s29], $0x80  }
0x6c: {  	[sflag:s29] =	ssyncset.done $0x0  }
0x6d: {  	[sflag:s29] =	ssyncadd.s32 $0xFFFFFF80  }
0x6e: {  	_ =	swait.ge [sflag:s29], $0x80  }
0x6f: {  	s30 =	sadd.s32 $0x1, s30;
	[sflag:s29] =	ssyncset.done $0x0  }
0x70: {  	p0 =	sne.s32 s30, s15;
	[sflag:s29] =	ssyncadd.s32 $0xFFFFFF80  }
.Ltmp1:
0x71: {  	[bflag:$0x0] =	sbarrier.arrive $0xFFFF;
	(pc) =	sbr.rel @p0 .LBB2_1-.Ltmp1, $4  }
0x72: {  	[hbm:s14], [sflag:s9] =	dma.local [spmem:s16], $0x2800  }
0x73: {  	_ =	swait.ge [sflag:s17], $0x2800  }
0x74: {  	[sflag:s17] =	ssyncset.done $0x0  }
0x75: {  	[sflag:s17] =	ssyncadd.s32 $0xFFFFD800  }
0x76: {  	_ =	sfence.sel $0x180000  }
0x77: {  	[bflag:$0x0] =	sbarrier.arrive $0xFFFF  }
0x78: {  	_ =	strace $0x9000004A  }
0x79: {  	s0 =	stileid.u32;
	[bflag:$0x2] =	sbarrier.arrive $0xFFFF  }
0x7a: {  	p0 =	sne.s32 s0, $0x0;
	s0 =	rddreg [dreg:$0x3]  }
0x7b: {  	s0 =	sadd.s32 @!p0 $0x100000, s0  }
0x7c: {  	[sflag:s0] =	ssyncadd.tile.s32 @!p0 $0x1;
	_ =	shalt  }
.Lfunc_end2:
_tile_overlayer_lowered:
.L_overlay_start_2:
0x7d: {  	(tag) =	ssettag $0x2  }
0x7e: {  	s0 =	rddreg [dreg:$0x0];
	s2 =	stileid.u32  }
0x7f: {  	s1 =	rddreg [dreg:$0x1];
	p0 =	sne.s32 s2, $0x0  }
0x80: {  	s3 =	rddreg [dreg:$0x2];
	[bflag:$0x3] =	sbarrier.arrive $0xFFFF;
	s2 =	simm.s32 @!p0 $0x1C07  }
0x81: {  	[timem:s3], [sflag:s2] =	dma.local @!p0 [hbm:s0], s1  }
0x82: {  	s0 =	simm.s32 @!p0 $0x7  }
0x83: {  	_ =	swait.ge @!p0 [sflag:s0], s1  }
0x84: {  	s1 =	ssub.s32 @!p0 $0x0, s1;
	[sflag:s0] =	ssyncset.done @!p0 $0x0  }
0x85: {  	[sflag:s0] =	ssyncadd.s32 @!p0 s1  }
0x86: {  	[bflag:$0x3] =	sbarrier.arrive $0xFFFF  }
0x87: {  	_ =	shalt  }

// kernel: _run.13.cloned.1.call-start
scs
__scs_entry_jumppad:
0x0: {  	(pc) =	sbr.rel $0x88, $3  }
0x1: {  	(tag) =	ssettag $0x0;
	lr =	simm.s32 $0x1  }
0x2: {  	[smem:$0x3F99] =	sst lr;
	_ =	strace $0xD0000000  }
0x3: {  	_ = 	snop  }
0x4: {  	_ = 	snop  }
0x5: {  	_ = 	snop  }
0x6: {  	_ = 	snop  }
0x7: {  	_ = 	snop  }
__scs_overlays_trampoline_lowered:
0x8: {  	[smem:$0x3FA8] =	sst s0  }
0x9: {  	[smem:$0x3FA9] =	sst s1  }
0xa: {  	[smem:$0x3FAA] =	sst s2  }
0xb: {  	[smem:$0x3FAB] =	sst s3  }
0xc: {  	[smem:$0x3FAC] =	sst s4  }
0xd: {  	[smem:$0x3FAD] =	sst s5  }
0xe: {  	[smem:$0x3FAE] =	sst s6  }
0xf: {  	[smem:$0x3FAF] =	sst s7  }
0x10: {  	[smem:$0x3FB0] =	sst s8  }
0x11: {  	[smem:$0x3FB1] =	sst s9;
	s0 =	simm.s32 @!p0 $0x0  }
0x12: {  	s1 =	sld [smem:$0x3F97];
	s0 =	simm.s32 @p0 $0x1  }
0x13: {  	[smem:$0x3FB2] =	sst s0;
	s0 =	simm.s32 @!p1 $0x0  }
0x14: {  	s2 =	sld [smem:$0x3F96];
	s0 =	simm.s32 @p1 $0x1  }
0x15: {  	[smem:$0x3FB3] =	sst s0;
	s0 =	simm.s32 @!p2 $0x0  }
0x16: {  	s3 =	sld [smem:$0x3FDB];
	s0 =	simm.s32 @p2 $0x1  }
0x17: {  	s4 =	simm.s32 $0x1BF5;
	[smem:$0x3FB5] =	sst s0  }
0x18: {  	s0 =	sld [smem:$0x3F98];
	_ =	swait.ge [sflag:s4], $0x0  }
0x19: {  	s7 =	sld [smem:$0x3F99]  }
0x1a: {  	s8 =	sadd.s32 $0xFFFFE003, lr  }
0x1b: {  	s9 =	sadd.s32 $0xFFFFFEF7, lr;
	s5 =	simm.s32 $0xFFFFFFFF;
	p2 =	slt.u32 s8, $0xFFFFF086  }
0x1c: {  	p1 =	slt.u32 s9, $0xF7A;
	s5 =	simm.s32 @!p2 $0x0  }
0x1d: {  	s5 =	simm.s32 @p1 $0x1;
	p0 =	seq.s32 s7, s2  }
0x1e: {  	s7 =	smul.u32 @!p0 $0xF7A, s2;
	p2 =	seq.s32 @!p0 s5, $0x0  }
0x1f: {  	s9 =	smul.u32 $0xF7A, s1;
	s8 =	simm.s32 @!p0 $0x1BF5;
	p2 =	por !p2, p0  }
0x20: {  	[sflag:s8] =	ssyncset.s32 @!p0 $0xFFFFF086;
	s6 =	sadd.s32 @!p0 s3, s7;
	s7 =	simm.s32 @!p0 $0x108  }
0x21: {  	s3 =	sadd.s32 s3, s9;
	s6 =	sadd.s32 @!p0 $0x88, s6;
	s7 =	simm.s32 @p2 $0x1082  }
0x22: {  	[simem:s7], [sflag:s8] =	dma.local @!p0 [hbm:s6], $0xF7A  }
0x23: {  	s9 =	sor.u32 $0xD0000000, s2;
	s6 =	simm.s32 $0x108;
	_ =	swait.ge @!p0 [sflag:s8], $0x0  }
0x24: {  	s3 =	sadd.s32 $0x88, s3;
	s6 =	simm.s32 @!p1 $0x1082;
	[sflag:s4] =	ssyncset.s32 $0xFFFFF086  }
0x25: {  	[simem:s6], [sflag:s4] =	dma.local [hbm:s3], $0xF7A  }
0x26: {  	[smem:$0x3F99] =	sst s1;
	(tag) =	ssettag s2;
	_ =	strace s9  }
0x27: {  	s1 =	sld [smem:$0x3FA9]  }
0x28: {  	s2 =	sld [smem:$0x3FAA]  }
0x29: {  	s4 =	sld [smem:$0x3FAC]  }
0x2a: {  	p0 =	seq.s32 s5, $0x0;
	s5 =	sld [smem:$0x3FAD]  }
0x2b: {  	s6 =	sld [smem:$0x3FAE]  }
0x2c: {  	s7 =	sld [smem:$0x3FAF]  }
0x2d: {  	s3 =	simm.s32 $0x108;
	s8 =	sld [smem:$0x3FB0]  }
0x2e: {  	s3 =	simm.s32 @!p0 $0x1082;
	s9 =	sld [smem:$0x3FB1]  }
0x2f: {  	lr =	sadd.s32 s0, s3;
	s0 =	sld [smem:$0x3FA8]  }
0x30: {  	s3 =	sld [smem:$0x3FAB]  }
0x31: {  	[smem:$0x3FB4] =	sst s10  }
0x32: {  	s10 =	sld [smem:$0x3FB2];
	_ =	sdelay $0x3  }
0x33: {  	p0 =	seq.s32 s10, $0x1;
	s10 =	sld [smem:$0x3FB4];
	_ =	sdelay $0x3  }
0x34: {  	[smem:$0x3FB4] =	sst s10  }
0x35: {  	s10 =	sld [smem:$0x3FB3];
	_ =	sdelay $0x3  }
0x36: {  	p1 =	seq.s32 s10, $0x1;
	s10 =	sld [smem:$0x3FB4];
	_ =	sdelay $0x3  }
0x37: {  	[smem:$0x3FB4] =	sst s10  }
0x38: {  	s10 =	sld [smem:$0x3FB5]  }
0x39: {  	_ = 	snop;
	(pc) =	sbr.ind lr, $3  }
0x3a: {  	_ = 	snop  }
0x3b: {  	_ = 	snop  }
0x3c: {  	p2 =	seq.s32 s10, $0x1;
	s10 =	sld [smem:$0x3FB4]  }
0x3d: {  	_ =	shalt  }
0x3e: {  	_ =	shalt  }
0x3f: {  	_ =	shalt  }
0x40: {  	_ =	shalt  }
0x41: {  	_ =	shalt  }
0x42: {  	_ =	shalt  }
0x43: {  	_ =	shalt  }
0x44: {  	_ =	shalt  }
0x45: {  	_ =	shalt  }
0x46: {  	_ =	shalt  }
0x47: {  	_ =	shalt  }
0x48: {  	_ =	shalt  }
0x49: {  	_ =	shalt  }
0x4a: {  	_ =	shalt  }
0x4b: {  	_ =	shalt  }
0x4c: {  	_ =	shalt  }
0x4d: {  	_ =	shalt  }
0x4e: {  	_ =	shalt  }
0x4f: {  	_ =	shalt  }
0x50: {  	_ =	shalt  }
0x51: {  	_ =	shalt  }
0x52: {  	_ =	shalt  }
0x53: {  	_ =	shalt  }
0x54: {  	_ =	shalt  }
0x55: {  	_ =	shalt  }
0x56: {  	_ =	shalt  }
0x57: {  	_ =	shalt  }
0x58: {  	_ =	shalt  }
0x59: {  	_ =	shalt  }
0x5a: {  	_ =	shalt  }
0x5b: {  	_ =	shalt  }
0x5c: {  	_ =	shalt  }
0x5d: {  	_ =	shalt  }
0x5e: {  	_ =	shalt  }
0x5f: {  	_ =	shalt  }
0x60: {  	_ =	shalt  }
0x61: {  	_ =	shalt  }
0x62: {  	_ =	shalt  }
0x63: {  	_ =	shalt  }
0x64: {  	_ =	shalt  }
0x65: {  	_ =	shalt  }
0x66: {  	_ =	shalt  }
0x67: {  	_ =	shalt  }
0x68: {  	_ =	shalt  }
0x69: {  	_ =	shalt  }
0x6a: {  	_ =	shalt  }
0x6b: {  	_ =	shalt  }
0x6c: {  	_ =	shalt  }
0x6d: {  	_ =	shalt  }
0x6e: {  	_ =	shalt  }
0x6f: {  	_ =	shalt  }
0x70: {  	_ =	shalt  }
0x71: {  	_ =	shalt  }
0x72: {  	_ =	shalt  }
0x73: {  	_ =	shalt  }
0x74: {  	_ =	shalt  }
0x75: {  	_ =	shalt  }
0x76: {  	_ =	shalt  }
0x77: {  	_ =	shalt  }
0x78: {  	_ =	shalt  }
0x79: {  	_ =	shalt  }
0x7a: {  	_ =	shalt  }
0x7b: {  	_ =	shalt  }
0x7c: {  	_ =	shalt  }
0x7d: {  	_ =	shalt  }
0x7e: {  	_ =	shalt  }
0x7f: {  	_ =	shalt  }
0x80: {  	_ =	shalt  }
0x81: {  	_ =	shalt  }
0x82: {  	_ =	shalt  }
0x83: {  	_ =	shalt  }
0x84: {  	_ =	shalt  }
0x85: {  	_ =	shalt  }
0x86: {  	_ =	shalt  }
0x87: {  	_ =	shalt  }
.Lfunc_end0:
.L_simem_size_0:
called_computation.2_lowered:
.L_overlay_start_0:
0x88: {  	s2 =	sld [smem:$0x3FD9]  }
0x89: {  	s3 =	sld [smem:$0x3FFE];
	_ =	sdelay $0x1  }
0x8a: {  	s1 =	srdreg.scid  }
0x8b: {  	s0 =	sand.u32 $0x1, s1  }
0x8c: {  	s17 =	sshll.u32 s0, $0xA;
	s2 =	sadd.s32 s3, s2  }
0x8d: {  	s2 =	sadd.s32 s2, s17  }
0x8e: {  	[smem:$0x3FC0] =	sst s2  }
0x8f: {  	_ = 	snop  }
0x90: {  	s2 =	sld [smem:$0x3FD0];
	(tm) =	ssettm $0x1  }
0x91: {  	s18 =	sld [smem:$0x3FFB];
	_ =	sdelay $0x3  }
0x92: {  	_ =	strace s18  }
0x93: {  	s3 =	sld [smem:$0x3FFC];
	_ =	sdelay $0x3  }
0x94: {  	_ =	strace s3  }
0x95: {  	s3 =	sld [smem:$0x3FFD];
	_ =	sdelay $0x3  }
0x96: {  	_ =	strace s3  }
0x97: {  	_ =	strace $0x8FFFFFFF  }
0x98: {  	s19 =	sld [smem:$0x3FDB];
	_ =	sdelay $0x1  }
0x99: {  	s4 =	simm.s32 $_scs_section_size  }
0x9a: {  	s5 =	simm.s32 $_size__tile_overlayer_lowered;
	s6 =	simm.s32 $_tile_overlayer_lowered  }
0x9b: {  	s22 =	simm.s32 $0x1BFF;
	s21 =	sshll.u32 s6, $0x1;
	s3 =	sadd.s32 s4, s19  }
0x9c: {  	s7 =	simm.s32 $0x0;
	s20 =	sshll.u32 s5, $0x1;
	s5 =	sadd.s32 s21, s3  }
0x9d: {  	[timem:s7], [sflag:s22] =	dma.local [hbm:s5], s20  }
0x9e: {  	_ =	swait.ge [sflag:s22], s20  }
0x9f: {  	s4 =	ssub.s32 $0x0, s20;
	[sflag:s22] =	ssyncset.done $0x0  }
0xa0: {  	[sflag:s22] =	ssyncadd.s32 s4;
	_ =	sdelay $0x1  }
0xa1: {  	s23 =	simm.s32 $0x1B8B  }
0xa2: {  	_ =	swait.ge [sflag:s23], $0x1  }
0xa3: {  	[sflag:s23] =	ssyncset.done $0x0  }
0xa4: {  	s25 =	simm.s32 $0x1B8E;
	s24 =	sld [smem:$0x3FFE];
	[sflag:s23] =	ssyncadd.s32 $0xFFFFFFFF  }
0xa5: {  	s26 =	simm.s32 $execute0_lowered;
	[smem:$0x3FD2] =	sst s25  }
0xa6: {  	s5 =	sshll.u32 s26, $0x1;
	_ =	strace $0x8000004C;
	[dreg:$0x1] =	wrdreg $0xFFFFFFFF  }
0xa7: {  	s28 =	simm.s32 $_size_execute0_lowered;
	s3 =	sadd.s32 s3, s5;
	[dreg:$0x0] =	wrdreg $0x0  }
0xa8: {  	s5 =	sshll.u32 s28, $0x1;
	[dreg:$0x2] =	wrdreg s3  }
0xa9: {  	[dreg:$0x3] =	wrdreg s5  }
0xaa: {  	[dreg:$0x4] =	wrdreg $0xC0  }
0xab: {  	_ =	task [dreg:s7], $0x5FFFF  }
0xac: {  	[dreg:$0x1] =	wrdreg $0xFFFFFFFF  }
0xad: {  	[dreg:$0x0] =	wrdreg $0x60  }
0xae: {  	[dreg:$0x2] =	wrdreg s24  }
0xaf: {  	[dreg:$0x3] =	wrdreg s2  }
0xb0: {  	[dreg:$0x4] =	wrdreg $0x82000  }
0xb1: {  	[dreg:$0x5] =	wrdreg $0x9  }
0xb2: {  	_ =	task.clear_ibuf [dreg:s7], $0x6FFFF;
	_ =	strace $0x9000004C  }
0xb3: {  	s29 =	simm.s32 $0x9;
	_ =	strace $0x8000004E  }
0xb4: {  	_ =	swait.ge [sflag:s29], $0x1  }
0xb5: {  	[sflag:s29] =	ssyncadd.s32 $0xFFFFFFFF  }
0xb6: {  	_ =	strace $0x9000004E  }
0xb7: {  	_ =	sfence  }
0xb8: {  	s30 =	sld [smem:$0x0];
	_ =	sdelay $0x2  }
0xb9: {  	s31 =	sshll.u32 s1, $0xD;
	s1 =	sshrl.u32 s1, $0x2  }
0xba: {  	s3 =	sand.u32 $0x4000, s31;
	s1 =	sadd.s32 s1, s30  }
0xbb: {  	s0 =	sor.u32 s3, s0;
	s1 =	sshll.u32 s1, $0x11  }
0xbc: {  	s0 =	sor.u32 s1, s0  }
0xbd: {  	s0 =	sadd.s32 $0x8F2B, s0  }
0xbe: {  	[sflag:s0] =	ssyncadd.remote.s32 $0x1  }
0xbf: {  	_ =	sfence.sel $0xFFFF  }
0xc0: {  	[dreg:$0x0] =	wrdreg $0xFFFFFFFF;
	(pc) =	sbr.abs _section_cstart, $3  }
0xc1: {  	[dreg:$0x1] =	wrdreg $0xFFFFFFFF  }
0xc2: {  	_ =	task.clear_ibuf [dreg:s7], $0x2FFFF;
	_ =	strace $0x9FFFFFFF  }
0xc3: {  	(tm) =	ssettm $0x7FFFFFFF  }
tec
execute0_lowered:
.L_overlay_start_1:
0x0: {  	(tag) =	ssettag $0x1  }
0x1: {  	s8 =	rddreg [dreg:$0x0]  }
0x2: {  	s1 =	rddreg [dreg:$0x1]  }
0x3: {  	s2 =	rddreg [dreg:$0x2];
	s3 =	srdreg.scid  }
0x4: {  	s4 =	simm.s32 $0x0;
	s0 =	stileid.u32;
	s17 =	simm.s32 $0x7  }
0x5: {  	s18 =	simm.s32 $0x100;
	s19 =	simm.s32 $0x80;
	s20 =	simm.s32 $0x200  }
0x6: {  	s21 =	simm.s32 $0x4200;
	s28 =	simm.s32 $0x5;
	s29 =	simm.s32 $0x6  }
0x7: {  	s30 =	simm.s32 $0x0;
	s9 =	sand.u32 $0x1, s3;
	[smem:$0x7FF] =	sst s4  }
0x8: {  	s10 =	smul.u32 $0x14000, s0;
	s5 =	sadd.s32 $0x18A00, s8;
	s6 =	sadd.s32 $0xDA00, s8  }
0x9: {  	s22 =	sadd.s32 $0x40A00, s8;
	s12 =	smul.u32 $0x50000, s0;
	s25 =	sshll.u32 s0, $0x6  }
0xa: {  	s7 =	smul.u32 $0x140000, s9;
	_ =	strace $0x8000004D;
	[dreg:$0x4] =	wrdreg s22  }
0xb: {  	s11 =	sshll.u32 s9, $0x4;
	s9 =	ssub.s32 $0x2, s9;
	s22 =	simm.s32 $0x1  }
0xc: {  	s11 =	sor.u32 s0, s11;
	s23 =	sshrl.u32 s9, $0x1;
	s10 =	sadd.s32 s10, s7  }
0xd: {  	s24 =	sshrl.u32 s12, $0x2;
	s15 =	ssub.s32 s9, s23;
	s10 =	sshrl.u32 s10, $0x3  }
0xe: {  	s16 =	sadd.s32 s24, s2;
	s14 =	sadd.s32 s10, s8;
	s8 =	smul.u32 $0x2C00, s11  }
0xf: {  	s9 =	sor.u32 $0x1C07, s25;
	s23 =	simm.s32 $0x2;
	s24 =	simm.s32 $0x180  }
0x10: {  	s25 =	simm.s32 $0x3;
	s15 =	smax.u32 s15, $0x1;
	s26 =	sshrl.u32 s8, $0x3  }
0x11: {  	s16 =	sshrl.u32 s16, $0x3;
	s14 =	sadd.s32 $0x43200, s14;
	s31 =	sadd.s32 s1, s26  }
0x12: {  	s11 =	sadd.s32 s6, s26;
	s13 =	sor.u32 $0x10, s26;
	s26 =	simm.s32 $0x4  }
0x13: {  	[dreg:$0x5] =	wrdreg s31;
	s12 =	sadd.s32 s1, s13;
	s13 =	sadd.s32 s6, s13  }
.LBB2_1:
0x14: {  	s0 =	rddreg [dreg:$0x4]  }
0x15: {  	[spmem:s16], [sflag:s9] =	dma.local [hbm:s0], $0x2800  }
0x16: {  	_ =	swait.ge [sflag:s17], $0x2800  }
0x17: {  	[sflag:s17] =	ssyncset.done $0x0  }
0x18: {  	s3 =	rddreg [dreg:$0x5];
	[sflag:s17] =	ssyncadd.s32 $0xFFFFD800  }
0x19: {  	[tilespmem:s4], [sflag:$0x7] =	stream.linear.gather [hbm4b:s3+s4], $0x80, $0x38;
	[tilespmem:$0x1C200] =	vst v63  }
0x1a: {  	_ =	swait.ge [sflag:s17], $0x80  }
0x1b: {  	[sflag:s17] =	ssyncset.done $0x0  }
0x1c: {  	[sflag:s17] =	ssyncadd.s32 $0xFFFFFF80  }
0x1d: {  	[tilespmem:s18], [sflag:$0x7] =	stream.linear.gather [hbm4b:s11+s4], $0x80, $0x38;
	[tilespmem:$0x1C200] =	vst v63  }
0x1e: {  	_ =	swait.ge [sflag:s17], $0x80  }
0x1f: {  	[sflag:s17] =	ssyncset.done $0x0  }
0x20: {  	[sflag:s17] =	ssyncadd.s32 $0xFFFFFF80  }
0x21: {  	[tilespmem:s19], [sflag:$0x7] =	stream.linear.gather [hbm4b:s12+s4], $0x80, $0x38;
	[tilespmem:$0x1C200] =	vst v63  }
0x22: {  	_ =	swait.ge [sflag:s17], $0x80  }
0x23: {  	[sflag:s17] =	ssyncset.done $0x0  }
0x24: {  	[sflag:s17] =	ssyncadd.s32 $0xFFFFFF80  }
0x25: {  	[tilespmem:s24], [sflag:$0x7] =	stream.linear.gather [hbm4b:s13+s4], $0x80, $0x38;
	[tilespmem:$0x1C200] =	vst v63  }
0x26: {  	_ =	swait.ge [sflag:s17], $0x80  }
0x27: {  	[sflag:s17] =	ssyncset.done $0x0  }
0x28: {  	[sflag:s17] =	ssyncadd.s32 $0xFFFFFF80  }
0x29: {  	s31 =	simm.s32 $0x100;
	[bflag:$0x0] =	sbarrier.arrive $0xFFFF  }
0x2a: {  	[tilespmem:s20], [sflag:$0x1] =	stream.indirect.gather [hbm4b:s5+s19], $0x80, s4, s19, $0xb8;
	[tilespmem:$0x1C200] =	vst v63  }
0x2b: {  	s7 =	sand.u32 $0x7C00, s31  }
0x2c: {  	[tilespmem:s21], [sflag:$0x2] =	stream.indirect.gather [hbm4b:s5+s19], $0x80, s19, s19, $0xb8;
	[tilespmem:$0x1C200] =	vst v63  }
0x2d: {  	s31 =	sand.u32 $0x300, s31;
	s0 =	sadd.s32 s8, s7;
	_ =	swait.ge [sflag:s22], $0x4000  }
0x2e: {  	s0 =	sor.u32 s31, s0;
	[sflag:s22] =	ssyncset.done $0x0  }
0x2f: {  	s0 =	sshrl.u32 s0, $0x3;
	[sflag:s22] =	ssyncadd.s32 $0xFFFFC000  }
0x30: {  	[spmem:s2] =	stream.indirect.scatter.add.f32 [tilespmem:s20], [sflag:$0x3], $0x80, s18, s19, $0xb8;
	[tilespmem:$0x1C200] =	vst v63  }
0x31: {  	s31 =	sadd.s32 s1, s0;
	s3 =	sand.u32 $0x7C00, s24  }
0x32: {  	[tilespmem:s4], [sflag:$0x5] =	stream.linear.gather [hbm4b:s31+s4], $0x80, $0x38;
	[tilespmem:$0x1C200] =	vst v63  }
0x33: {  	s3 =	sadd.s32 s8, s3;
	s31 =	sand.u32 $0x380, s24;
	_ =	swait.ge [sflag:s23], $0x4000  }
0x34: {  	s3 =	sor.u32 s31, s3;
	[sflag:s23] =	ssyncset.done $0x0  }
0x35: {  	s3 =	sshrl.u32 s3, $0x3;
	[sflag:s23] =	ssyncadd.s32 $0xFFFFC000  }
0x36: {  	[spmem:s2] =	stream.indirect.scatter.add.f32 [tilespmem:s21], [sflag:$0x4], $0x80, s24, s19, $0xb8;
	[tilespmem:$0x1C200] =	vst v63  }
0x37: {  	s31 =	sadd.s32 s1, s3  }
0x38: {  	[tilespmem:s19], [sflag:$0x6] =	stream.linear.gather [hbm4b:s31+s4], $0x80, $0x38;
	[tilespmem:$0x1C200] =	vst v63  }
0x39: {  	_ =	swait.ge [sflag:s25], $0x4000  }
0x3a: {  	[sflag:s25] =	ssyncset.done $0x0  }
0x3b: {  	s0 =	sadd.s32 s6, s0;
	[sflag:s25] =	ssyncadd.s32 $0xFFFFC000  }
0x3c: {  	[tilespmem:s18], [sflag:$0x5] =	stream.linear.gather [hbm4b:s0+s4], $0x80, $0x38;
	[tilespmem:$0x1C200] =	vst v63  }
0x3d: {  	_ =	swait.ge [sflag:s26], $0x4000  }
0x3e: {  	[sflag:s26] =	ssyncset.done $0x0  }
0x3f: {  	s10 =	sadd.s32 s6, s3;
	[sflag:s26] =	ssyncadd.s32 $0xFFFFC000  }
0x40: {  	[tilespmem:s24], [sflag:$0x6] =	stream.linear.gather [hbm4b:s10+s4], $0x80, $0x38;
	[tilespmem:$0x1C200] =	vst v63  }
0x41: {  	_ =	swait.ge [sflag:s28], $0x80  }
0x42: {  	[sflag:s28] =	ssyncset.done $0x0  }
0x43: {  	[sflag:s28] =	ssyncadd.s32 $0xFFFFFF80  }
0x44: {  	_ =	swait.ge [sflag:s28], $0x80  }
0x45: {  	[sflag:s28] =	ssyncset.done $0x0  }
0x46: {  	s31 =	simm.s32 $0x280;
	[sflag:s28] =	ssyncadd.s32 $0xFFFFFF80  }
.LBB2_2:
0x47: {  	p0 =	sne.s32 s31, $0x2880  }
0x48: {  	_ =	swait.ge [sflag:s29], $0x80;
	s0 =	smov.u32 s31;
	s31 =	sadd.s32 $0x100, s31  }
0x49: {  	[sflag:s29] =	ssyncset.done $0x0  }
0x4a: {  	[sflag:s29] =	ssyncadd.s32 $0xFFFFFF80  }
0x4b: {  	s3 =	sadd.s32 $0xFFFFFF80, s0;
	_ =	swait.ge [sflag:s29], $0x80  }
0x4c: {  	s7 =	sand.u32 $0x7C00, s3;
	s3 =	sand.u32 $0x300, s3;
	[sflag:s29] =	ssyncset.done $0x0  }
0x4d: {  	s7 =	sadd.s32 s8, s7;
	[sflag:s29] =	ssyncadd.s32 $0xFFFFFF80  }
0x4e: {  	[tilespmem:s20], [sflag:$0x1] =	stream.indirect.gather [hbm4b:s5+s19], $0x80, s4, s19, $0xb8;
	[tilespmem:$0x1C200] =	vst v63  }
0x4f: {  	s3 =	sor.u32 s3, s7  }
0x50: {  	[tilespmem:s21], [sflag:$0x2] =	stream.indirect.gather [hbm4b:s5+s19], $0x80, s19, s19, $0xb8;
	[tilespmem:$0x1C200] =	vst v63  }
0x51: {  	s3 =	sshrl.u32 s3, $0x3;
	_ =	swait.ge [sflag:s22], $0x4000  }
0x52: {  	[sflag:s22] =	ssyncset.done $0x0  }
0x53: {  	[sflag:s22] =	ssyncadd.s32 $0xFFFFC000  }
0x54: {  	[spmem:s2] =	stream.indirect.scatter.add.f32 [tilespmem:s20], [sflag:$0x3], $0x80, s18, s19, $0xb8;
	[tilespmem:$0x1C200] =	vst v63  }
0x55: {  	s10 =	sand.u32 $0x7C00, s0;
	s7 =	sadd.s32 s1, s3  }
0x56: {  	[tilespmem:s4], [sflag:$0x5] =	stream.linear.gather [hbm4b:s7+s4], $0x80, $0x38;
	[tilespmem:$0x1C200] =	vst v63  }
0x57: {  	s0 =	sand.u32 $0x380, s0;
	s7 =	sadd.s32 s8, s10;
	_ =	swait.ge [sflag:s23], $0x4000  }
0x58: {  	s0 =	sor.u32 s0, s7;
	[sflag:s23] =	ssyncset.done $0x0  }
0x59: {  	s0 =	sshrl.u32 s0, $0x3;
	[sflag:s23] =	ssyncadd.s32 $0xFFFFC000  }
0x5a: {  	[spmem:s2] =	stream.indirect.scatter.add.f32 [tilespmem:s21], [sflag:$0x4], $0x80, s24, s19, $0xb8;
	[tilespmem:$0x1C200] =	vst v63  }
0x5b: {  	s7 =	sadd.s32 s1, s0  }
0x5c: {  	[tilespmem:s19], [sflag:$0x6] =	stream.linear.gather [hbm4b:s7+s4], $0x80, $0x38;
	[tilespmem:$0x1C200] =	vst v63  }
0x5d: {  	_ =	swait.ge [sflag:s25], $0x4000  }
0x5e: {  	s3 =	sadd.s32 s6, s3;
	[sflag:s25] =	ssyncset.done $0x0  }
0x5f: {  	[sflag:s25] =	ssyncadd.s32 $0xFFFFC000  }
0x60: {  	[tilespmem:s18], [sflag:$0x5] =	stream.linear.gather [hbm4b:s3+s4], $0x80, $0x38;
	[tilespmem:$0x1C200] =	vst v63  }
0x61: {  	_ =	swait.ge [sflag:s26], $0x4000  }
0x62: {  	s0 =	sadd.s32 s6, s0;
	[sflag:s26] =	ssyncset.done $0x0  }
0x63: {  	[sflag:s26] =	ssyncadd.s32 $0xFFFFC000  }
0x64: {  	[tilespmem:s24], [sflag:$0x6] =	stream.linear.gather [hbm4b:s0+s4], $0x80, $0x38;
	[tilespmem:$0x1C200] =	vst v63  }
0x65: {  	_ =	swait.ge [sflag:s28], $0x80  }
.Ltmp0:
0x66: {  	[sflag:s28] =	ssyncset.done $0x0;
	(pc) =	sbr.rel @p0 .LBB2_2-.Ltmp0, $4  }
0x67: {  	[sflag:s28] =	ssyncadd.s32 $0xFFFFFF80  }
0x68: {  	_ =	swait.ge [sflag:s28], $0x80  }
0x69: {  	[sflag:s28] =	ssyncset.done $0x0  }
0x6a: {  	[sflag:s28] =	ssyncadd.s32 $0xFFFFFF80  }
0x6b: {  	_ =	swait.ge [sflag:s29], $0x80  }
0x6c: {  	[sflag:s29] =	ssyncset.done $0x0  }
0x6d: {  	[sflag:s29] =	ssyncadd.s32 $0xFFFFFF80  }
0x6e: {  	_ =	swait.ge [sflag:s29], $0x80  }
0x6f: {  	s30 =	sadd.s32 $0x1, s30;
	[sflag:s29] =	ssyncset.done $0x0  }
0x70: {  	p0 =	sne.s32 s30, s15;
	[sflag:s29] =	ssyncadd.s32 $0xFFFFFF80  }
.Ltmp1:
0x71: {  	[bflag:$0x0] =	sbarrier.arrive $0xFFFF;
	(pc) =	sbr.rel @p0 .LBB2_1-.Ltmp1, $4  }
0x72: {  	[hbm:s14], [sflag:s9] =	dma.local [spmem:s16], $0x2800  }
0x73: {  	_ =	swait.ge [sflag:s17], $0x2800  }
0x74: {  	[sflag:s17] =	ssyncset.done $0x0  }
0x75: {  	[sflag:s17] =	ssyncadd.s32 $0xFFFFD800  }
0x76: {  	_ =	sfence.sel $0x180000  }
0x77: {  	[bflag:$0x0] =	sbarrier.arrive $0xFFFF  }
0x78: {  	_ =	strace $0x9000004D  }
0x79: {  	s0 =	stileid.u32;
	[bflag:$0x2] =	sbarrier.arrive $0xFFFF  }
0x7a: {  	p0 =	sne.s32 s0, $0x0;
	s0 =	rddreg [dreg:$0x3]  }
0x7b: {  	s0 =	sadd.s32 @!p0 $0x100000, s0  }
0x7c: {  	[sflag:s0] =	ssyncadd.tile.s32 @!p0 $0x1;
	_ =	shalt  }
.Lfunc_end2:
_tile_overlayer_lowered:
.L_overlay_start_2:
0x7d: {  	(tag) =	ssettag $0x2  }
0x7e: {  	s0 =	rddreg [dreg:$0x0];
	s2 =	stileid.u32  }
0x7f: {  	s1 =	rddreg [dreg:$0x1];
	p0 =	sne.s32 s2, $0x0  }
0x80: {  	s3 =	rddreg [dreg:$0x2];
	[bflag:$0x3] =	sbarrier.arrive $0xFFFF;
	s2 =	simm.s32 @!p0 $0x1C07  }
0x81: {  	[timem:s3], [sflag:s2] =	dma.local @!p0 [hbm:s0], s1  }
0x82: {  	s0 =	simm.s32 @!p0 $0x7  }
0x83: {  	_ =	swait.ge @!p0 [sflag:s0], s1  }
0x84: {  	s1 =	ssub.s32 @!p0 $0x0, s1;
	[sflag:s0] =	ssyncset.done @!p0 $0x0  }
0x85: {  	[sflag:s0] =	ssyncadd.s32 @!p0 s1  }
0x86: {  	[bflag:$0x3] =	sbarrier.arrive $0xFFFF  }
0x87: {  	_ =	shalt  }

// kernel: _run.7.cloned.1.call-start
scs
__scs_entry_jumppad:
0x0: {  	(pc) =	sbr.rel $0x88, $3  }
0x1: {  	(tag) =	ssettag $0x0;
	lr =	simm.s32 $0x1  }
0x2: {  	[smem:$0x3F99] =	sst lr;
	_ =	strace $0xD0000000  }
0x3: {  	_ = 	snop  }
0x4: {  	_ = 	snop  }
0x5: {  	_ = 	snop  }
0x6: {  	_ = 	snop  }
0x7: {  	_ = 	snop  }
__scs_overlays_trampoline_lowered:
0x8: {  	[smem:$0x3FA8] =	sst s0  }
0x9: {  	[smem:$0x3FA9] =	sst s1  }
0xa: {  	[smem:$0x3FAA] =	sst s2  }
0xb: {  	[smem:$0x3FAB] =	sst s3  }
0xc: {  	[smem:$0x3FAC] =	sst s4  }
0xd: {  	[smem:$0x3FAD] =	sst s5  }
0xe: {  	[smem:$0x3FAE] =	sst s6  }
0xf: {  	[smem:$0x3FAF] =	sst s7  }
0x10: {  	[smem:$0x3FB0] =	sst s8  }
0x11: {  	[smem:$0x3FB1] =	sst s9;
	s0 =	simm.s32 @!p0 $0x0  }
0x12: {  	s1 =	sld [smem:$0x3F97];
	s0 =	simm.s32 @p0 $0x1  }
0x13: {  	[smem:$0x3FB2] =	sst s0;
	s0 =	simm.s32 @!p1 $0x0  }
0x14: {  	s2 =	sld [smem:$0x3F96];
	s0 =	simm.s32 @p1 $0x1  }
0x15: {  	[smem:$0x3FB3] =	sst s0;
	s0 =	simm.s32 @!p2 $0x0  }
0x16: {  	s3 =	sld [smem:$0x3FDB];
	s0 =	simm.s32 @p2 $0x1  }
0x17: {  	s4 =	simm.s32 $0x1BF5;
	[smem:$0x3FB5] =	sst s0  }
0x18: {  	s0 =	sld [smem:$0x3F98];
	_ =	swait.ge [sflag:s4], $0x0  }
0x19: {  	s7 =	sld [smem:$0x3F99]  }
0x1a: {  	s8 =	sadd.s32 $0xFFFFE003, lr  }
0x1b: {  	s9 =	sadd.s32 $0xFFFFFEF7, lr;
	s5 =	simm.s32 $0xFFFFFFFF;
	p2 =	slt.u32 s8, $0xFFFFF086  }
0x1c: {  	p1 =	slt.u32 s9, $0xF7A;
	s5 =	simm.s32 @!p2 $0x0  }
0x1d: {  	s5 =	simm.s32 @p1 $0x1;
	p0 =	seq.s32 s7, s2  }
0x1e: {  	s7 =	smul.u32 @!p0 $0xF7A, s2;
	p2 =	seq.s32 @!p0 s5, $0x0  }
0x1f: {  	s9 =	smul.u32 $0xF7A, s1;
	s8 =	simm.s32 @!p0 $0x1BF5;
	p2 =	por !p2, p0  }
0x20: {  	[sflag:s8] =	ssyncset.s32 @!p0 $0xFFFFF086;
	s6 =	sadd.s32 @!p0 s3, s7;
	s7 =	simm.s32 @!p0 $0x108  }
0x21: {  	s3 =	sadd.s32 s3, s9;
	s6 =	sadd.s32 @!p0 $0x88, s6;
	s7 =	simm.s32 @p2 $0x1082  }
0x22: {  	[simem:s7], [sflag:s8] =	dma.local @!p0 [hbm:s6], $0xF7A  }
0x23: {  	s9 =	sor.u32 $0xD0000000, s2;
	s6 =	simm.s32 $0x108;
	_ =	swait.ge @!p0 [sflag:s8], $0x0  }
0x24: {  	s3 =	sadd.s32 $0x88, s3;
	s6 =	simm.s32 @!p1 $0x1082;
	[sflag:s4] =	ssyncset.s32 $0xFFFFF086  }
0x25: {  	[simem:s6], [sflag:s4] =	dma.local [hbm:s3], $0xF7A  }
0x26: {  	[smem:$0x3F99] =	sst s1;
	(tag) =	ssettag s2;
	_ =	strace s9  }
0x27: {  	s1 =	sld [smem:$0x3FA9]  }
0x28: {  	s2 =	sld [smem:$0x3FAA]  }
0x29: {  	s4 =	sld [smem:$0x3FAC]  }
0x2a: {  	p0 =	seq.s32 s5, $0x0;
	s5 =	sld [smem:$0x3FAD]  }
0x2b: {  	s6 =	sld [smem:$0x3FAE]  }
0x2c: {  	s7 =	sld [smem:$0x3FAF]  }
0x2d: {  	s3 =	simm.s32 $0x108;
	s8 =	sld [smem:$0x3FB0]  }
0x2e: {  	s3 =	simm.s32 @!p0 $0x1082;
	s9 =	sld [smem:$0x3FB1]  }
0x2f: {  	lr =	sadd.s32 s0, s3;
	s0 =	sld [smem:$0x3FA8]  }
0x30: {  	s3 =	sld [smem:$0x3FAB]  }
0x31: {  	[smem:$0x3FB4] =	sst s10  }
0x32: {  	s10 =	sld [smem:$0x3FB2];
	_ =	sdelay $0x3  }
0x33: {  	p0 =	seq.s32 s10, $0x1;
	s10 =	sld [smem:$0x3FB4];
	_ =	sdelay $0x3  }
0x34: {  	[smem:$0x3FB4] =	sst s10  }
0x35: {  	s10 =	sld [smem:$0x3FB3];
	_ =	sdelay $0x3  }
0x36: {  	p1 =	seq.s32 s10, $0x1;
	s10 =	sld [smem:$0x3FB4];
	_ =	sdelay $0x3  }
0x37: {  	[smem:$0x3FB4] =	sst s10  }
0x38: {  	s10 =	sld [smem:$0x3FB5]  }
0x39: {  	_ = 	snop;
	(pc) =	sbr.ind lr, $3  }
0x3a: {  	_ = 	snop  }
0x3b: {  	_ = 	snop  }
0x3c: {  	p2 =	seq.s32 s10, $0x1;
	s10 =	sld [smem:$0x3FB4]  }
0x3d: {  	_ =	shalt  }
0x3e: {  	_ =	shalt  }
0x3f: {  	_ =	shalt  }
0x40: {  	_ =	shalt  }
0x41: {  	_ =	shalt  }
0x42: {  	_ =	shalt  }
0x43: {  	_ =	shalt  }
0x44: {  	_ =	shalt  }
0x45: {  	_ =	shalt  }
0x46: {  	_ =	shalt  }
0x47: {  	_ =	shalt  }
0x48: {  	_ =	shalt  }
0x49: {  	_ =	shalt  }
0x4a: {  	_ =	shalt  }
0x4b: {  	_ =	shalt  }
0x4c: {  	_ =	shalt  }
0x4d: {  	_ =	shalt  }
0x4e: {  	_ =	shalt  }
0x4f: {  	_ =	shalt  }
0x50: {  	_ =	shalt  }
0x51: {  	_ =	shalt  }
0x52: {  	_ =	shalt  }
0x53: {  	_ =	shalt  }
0x54: {  	_ =	shalt  }
0x55: {  	_ =	shalt  }
0x56: {  	_ =	shalt  }
0x57: {  	_ =	shalt  }
0x58: {  	_ =	shalt  }
0x59: {  	_ =	shalt  }
0x5a: {  	_ =	shalt  }
0x5b: {  	_ =	shalt  }
0x5c: {  	_ =	shalt  }
0x5d: {  	_ =	shalt  }
0x5e: {  	_ =	shalt  }
0x5f: {  	_ =	shalt  }
0x60: {  	_ =	shalt  }
0x61: {  	_ =	shalt  }
0x62: {  	_ =	shalt  }
0x63: {  	_ =	shalt  }
0x64: {  	_ =	shalt  }
0x65: {  	_ =	shalt  }
0x66: {  	_ =	shalt  }
0x67: {  	_ =	shalt  }
0x68: {  	_ =	shalt  }
0x69: {  	_ =	shalt  }
0x6a: {  	_ =	shalt  }
0x6b: {  	_ =	shalt  }
0x6c: {  	_ =	shalt  }
0x6d: {  	_ =	shalt  }
0x6e: {  	_ =	shalt  }
0x6f: {  	_ =	shalt  }
0x70: {  	_ =	shalt  }
0x71: {  	_ =	shalt  }
0x72: {  	_ =	shalt  }
0x73: {  	_ =	shalt  }
0x74: {  	_ =	shalt  }
0x75: {  	_ =	shalt  }
0x76: {  	_ =	shalt  }
0x77: {  	_ =	shalt  }
0x78: {  	_ =	shalt  }
0x79: {  	_ =	shalt  }
0x7a: {  	_ =	shalt  }
0x7b: {  	_ =	shalt  }
0x7c: {  	_ =	shalt  }
0x7d: {  	_ =	shalt  }
0x7e: {  	_ =	shalt  }
0x7f: {  	_ =	shalt  }
0x80: {  	_ =	shalt  }
0x81: {  	_ =	shalt  }
0x82: {  	_ =	shalt  }
0x83: {  	_ =	shalt  }
0x84: {  	_ =	shalt  }
0x85: {  	_ =	shalt  }
0x86: {  	_ =	shalt  }
0x87: {  	_ =	shalt  }
.Lfunc_end0:
.L_simem_size_0:
called_computation_lowered:
.L_overlay_start_0:
0x88: {  	s2 =	sld [smem:$0x3FD9]  }
0x89: {  	s3 =	sld [smem:$0x3FFE];
	_ =	sdelay $0x1  }
0x8a: {  	s1 =	srdreg.scid  }
0x8b: {  	s0 =	sand.u32 $0x1, s1  }
0x8c: {  	s16 =	sshll.u32 s0, $0xA;
	s2 =	sadd.s32 s3, s2  }
0x8d: {  	s2 =	sadd.s32 s2, s16  }
0x8e: {  	[smem:$0x3FC0] =	sst s2  }
0x8f: {  	_ = 	snop  }
0x90: {  	(tm) =	ssettm $0x1  }
0x91: {  	s17 =	sld [smem:$0x3FFB];
	_ =	sdelay $0x3  }
0x92: {  	_ =	strace s17  }
0x93: {  	s2 =	sld [smem:$0x3FFC];
	_ =	sdelay $0x3  }
0x94: {  	_ =	strace s2  }
0x95: {  	s2 =	sld [smem:$0x3FFD];
	_ =	sdelay $0x3  }
0x96: {  	_ =	strace s2  }
0x97: {  	_ =	strace $0x8FFFFFFF  }
0x98: {  	s18 =	sld [smem:$0x3FDB];
	_ =	sdelay $0x1  }
0x99: {  	s19 =	simm.s32 $_scs_section_size  }
0x9a: {  	s4 =	simm.s32 $_size__tile_overlayer_lowered;
	s5 =	simm.s32 $_tile_overlayer_lowered  }
0x9b: {  	s22 =	simm.s32 $0x1BFF;
	s21 =	sshll.u32 s5, $0x1;
	s2 =	sadd.s32 s19, s18  }
0x9c: {  	s6 =	simm.s32 $0x0;
	s20 =	sshll.u32 s4, $0x1;
	s4 =	sadd.s32 s21, s2  }
0x9d: {  	[timem:s6], [sflag:s22] =	dma.local [hbm:s4], s20  }
0x9e: {  	_ =	swait.ge [sflag:s22], s20  }
0x9f: {  	s3 =	ssub.s32 $0x0, s20;
	[sflag:s22] =	ssyncset.done $0x0  }
0xa0: {  	[sflag:s22] =	ssyncadd.s32 s3;
	_ =	sdelay $0x1  }
0xa1: {  	s23 =	simm.s32 $0x1B8B  }
0xa2: {  	_ =	swait.ge [sflag:s23], $0x1  }
0xa3: {  	[sflag:s23] =	ssyncset.done $0x0  }
0xa4: {  	s25 =	simm.s32 $0x1B8E;
	s24 =	sld [smem:$0x3FFE];
	[sflag:s23] =	ssyncadd.s32 $0xFFFFFFFF  }
0xa5: {  	s26 =	simm.s32 $execute0_lowered;
	[smem:$0x3FD2] =	sst s25  }
0xa6: {  	s4 =	sshll.u32 s26, $0x1;
	_ =	strace $0x80000046;
	[dreg:$0x1] =	wrdreg $0xFFFFFFFF  }
0xa7: {  	s28 =	simm.s32 $_size_execute0_lowered;
	s2 =	sadd.s32 s2, s4;
	[dreg:$0x0] =	wrdreg $0x0  }
0xa8: {  	s4 =	sshll.u32 s28, $0x1;
	[dreg:$0x2] =	wrdreg s2  }
0xa9: {  	[dreg:$0x3] =	wrdreg s4  }
0xaa: {  	[dreg:$0x4] =	wrdreg $0xC0  }
0xab: {  	_ =	task [dreg:s6], $0x5FFFF  }
0xac: {  	[dreg:$0x1] =	wrdreg $0xFFFFFFFF  }
0xad: {  	[dreg:$0x0] =	wrdreg $0x60  }
0xae: {  	[dreg:$0x2] =	wrdreg s24  }
0xaf: {  	[dreg:$0x3] =	wrdreg $0x66800  }
0xb0: {  	[dreg:$0x4] =	wrdreg $0x9  }
0xb1: {  	_ =	task.clear_ibuf [dreg:s6], $0x5FFFF;
	_ =	strace $0x90000046  }
0xb2: {  	s29 =	simm.s32 $0x9;
	_ =	strace $0x80000048  }
0xb3: {  	_ =	swait.ge [sflag:s29], $0x1  }
0xb4: {  	[sflag:s29] =	ssyncadd.s32 $0xFFFFFFFF  }
0xb5: {  	_ =	strace $0x90000048  }
0xb6: {  	_ =	sfence  }
0xb7: {  	s30 =	sld [smem:$0x0];
	_ =	sdelay $0x2  }
0xb8: {  	s31 =	sshll.u32 s1, $0xD;
	s1 =	sshrl.u32 s1, $0x2  }
0xb9: {  	s3 =	sand.u32 $0x4000, s31;
	s1 =	sadd.s32 s1, s30  }
0xba: {  	s0 =	sor.u32 s3, s0;
	s1 =	sshll.u32 s1, $0x11  }
0xbb: {  	s0 =	sor.u32 s1, s0  }
0xbc: {  	s0 =	sadd.s32 $0x8F2B, s0  }
0xbd: {  	[sflag:s0] =	ssyncadd.remote.s32 $0x1  }
0xbe: {  	_ =	sfence.sel $0xFFFF  }
0xbf: {  	[dreg:$0x0] =	wrdreg $0xFFFFFFFF;
	(pc) =	sbr.abs _section_cstart, $3  }
0xc0: {  	[dreg:$0x1] =	wrdreg $0xFFFFFFFF  }
0xc1: {  	_ =	task.clear_ibuf [dreg:s6], $0x2FFFF;
	_ =	strace $0x9FFFFFFF  }
0xc2: {  	(tm) =	ssettm $0x7FFFFFFF  }
0xc3: {  	_ =	shalt  }
tec
execute0_lowered:
.L_overlay_start_1:
0x0: {  	(tag) =	ssettag $0x1  }
0x1: {  	s0 =	srdreg.scid;
	s4 =	rddreg [dreg:$0x0]  }
0x2: {  	s5 =	rddreg [dreg:$0x1];
	s12 =	simm.s32 $0x80;
	s13 =	simm.s32 $0x400  }
0x3: {  	s14 =	simm.s32 $0x5000;
	s15 =	simm.s32 $0x100;
	s16 =	simm.s32 $0x6400  }
0x4: {  	s17 =	simm.s32 $0x0;
	s3 =	sand.u32 $0x1, s0;
	s0 =	stileid.u32  }
0x5: {  	s1 =	sshll.u32 s3, $0x4;
	s7 =	sshll.u32 s0, $0x7;
	s8 =	smul.u32 $0x500, s0  }
0x6: {  	s9 =	sshll.u32 s3, $0x7;
	s10 =	sshrl.u32 s0, $0x3;
	s29 =	ssub.s32 $0x2, s3  }
0x7: {  	s11 =	smul.u32 $0x5000, s0;
	s3 =	sadd.s32 $0xCA00, s4;
	s2 =	sor.u32 s0, s1  }
0x8: {  	s1 =	rddreg [dreg:$0x2];
	s7 =	sand.u32 $0x380, s7;
	s28 =	smul.u32 $0x50000, s10  }
0x9: {  	s30 =	sshrl.u32 s29, $0x1;
	s6 =	sshrl.u32 s2, $0x3;
	s2 =	simm.s32 $0x0  }
0xa: {  	s8 =	sor.u32 s9, s8;
	s10 =	ssub.s32 s29, s30;
	s11 =	sshrl.u32 s11, $0x2  }
0xb: {  	s6 =	smul.u32 $0x14000, s6;
	[smem:$0x7FF] =	sst s2;
	s8 =	sshrl.u32 s8, $0x3  }
0xc: {  	s9 =	sshrl.u32 s28, $0x2;
	_ =	strace $0x80000047;
	s8 =	sadd.s32 s8, s4  }
0xd: {  	s31 =	sadd.s32 s9, s5;
	s5 =	sadd.s32 s11, s5;
	s6 =	sor.u32 s7, s6  }
0xe: {  	s9 =	smax.u32 s10, $0x1;
	s10 =	simm.s32 $0x2800;
	s6 =	sshrl.u32 s6, $0x3  }
0xf: {  	s11 =	simm.s32 $0x1;
	s8 =	sadd.s32 $0xD000, s8;
	s6 =	sadd.s32 s6, s4  }
0x10: {  	v0 =	vimm.f32 $1.000000000e+00;
	s4 =	sadd.s32 $0x2A00, s6;
	s6 =	sadd.s32 s7, s31;
	s7 =	sadd.s32 $0x14000, s5  }
.LBB2_1:
0x11: {  	[tilespmem:s10], [sflag:$0x1] =	stream.linear.gather [hbm4b:s3+s2], $0x2800, $0x38;
	[tilespmem:$0x8E80] =	vst v63  }
0x12: {  	_ =	swait.ge [sflag:s11], $0x2800  }
0x13: {  	[sflag:s11] =	ssyncset.done $0x0  }
0x14: {  	[sflag:s11] =	ssyncadd.s32 $0xFFFFD800  }
0x15: {  	[tilespmem:s2], [sflag:$0x1] =	stream.strided.gather [hbm4b:s4+s12], $0x2800, s13, s12, $0x38;
	[tilespmem:$0x8E80] =	vst v63  }
0x16: {  	_ =	swait.ge [sflag:s11], $0x2800  }
0x17: {  	[sflag:s11] =	ssyncset.done $0x0  }
0x18: {  	s19 =	simm.s32 $0x0;
	s18 =	simm.s32 $0x40;
	[sflag:s11] =	ssyncadd.s32 $0xFFFFD800  }
.LBB2_2:
0x19: {  	p0 =	sne.s32 s18, $0x9FC0;
	v1 =	vld [tilespmem:s19+$0x0];
	_ =	sdelay $0x3  }
.Ltmp0:
0x1a: {  	(pc) =	sbr.rel @p0 .LBB2_2-.Ltmp0, $2  }
0x1b: {  	_ =	sdelay $0x2  }
0x1c: {  	s19 =	sshra.s32 s18, $0x2;
	s18 =	sadd.s32 $0x40, s18;
	[tilespmem:v1+s10+$0x0] =	vst.idx.add.f32.msk $0xffff, v0  }
0x1d: {  	v1 =	vld [tilespmem:s19+$0x0];
	_ =	sdelay $0x7  }
0x1e: {  	[tilespmem:v1+s10+$0x0] =	vst.idx.add.f32.msk $0xffff, v0  }
0x1f: {  	[spmem:s6] =	stream.strided.scatter [tilespmem:s10], [sflag:$0x1], $0x2800, s13, s12, $0x38;
	[tilespmem:$0x8E80] =	vst v63  }
0x20: {  	_ =	swait.ge [sflag:s11], $0x2800  }
0x21: {  	[sflag:s11] =	ssyncset.done $0x0  }
0x22: {  	[sflag:s11] =	ssyncadd.s32 $0xFFFFD800  }
0x23: {  	[bflag:$0x0] =	sbarrier.arrive $0xFFFF  }
0x24: {  	[tilespmem:s14], [sflag:$0x1] =	stream.linear.gather [spmem:s5], $0x1400, $0x38;
	[tilespmem:$0x8E80] =	vst v63  }
0x25: {  	s18 =	simm.s32 $0x0;
	_ =	swait.ge [sflag:s11], $0x1400  }
0x26: {  	s31 =	sand.u32 $0x70, s18;
	s18 =	sand.u32 $0x1C00, s18;
	[sflag:s11] =	ssyncset.done $0x0  }
0x27: {  	s18 =	sor.u32 s31, s18;
	[sflag:s11] =	ssyncadd.s32 $0xFFFFEC00  }
0x28: {  	v1 =	vld [tilespmem:s18+$0x5080]  }
0x29: {  	v2 =	vld [tilespmem:s18+$0x5000];
	_ =	sdelay $0x1  }
0x2a: {  	v3 =	vld [tilespmem:s18+$0x5100];
	_ =	sdelay $0x1  }
0x2b: {  	v4 =	vld [tilespmem:s18+$0x5180]  }
0x2c: {  	v1 =	vadd.f32 v1, v2  }
0x2d: {  	v2 =	vld [tilespmem:s18+$0x5200]  }
0x2e: {  	v1 =	vadd.f32 v3, v1  }
0x2f: {  	v3 =	vld [tilespmem:s18+$0x5280]  }
0x30: {  	v1 =	vadd.f32 v4, v1  }
0x31: {  	v63 =	vld [tilespmem:s18+$0x5300]  }
0x32: {  	v1 =	vadd.f32 v2, v1  }
0x33: {  	v2 =	vld [tilespmem:s18+$0x5380]  }
0x34: {  	v1 =	vadd.f32 v3, v1;
	_ =	sdelay $0x1  }
0x35: {  	v1 =	vadd.f32 v63, v1;
	_ =	sdelay $0x1  }
0x36: {  	s20 =	simm.s32 $0x10;
	s19 =	simm.s32 $0x80;
	v1 =	vadd.f32 v2, v1  }
0x37: {  	s20 =	sand.u32 $0x70, s20;
	s21 =	sand.u32 $0x1C00, s19;
	s18 =	simm.s32 $0x6400  }
0x38: {  	s21 =	sor.u32 s20, s21;
	s20 =	simm.s32 $0x20;
	[tilespmem:s18+$0x0] =	vst v1  }
.LBB2_4:
0x39: {  	p0 =	sne.s32 s20, $0x270;
	v1 =	vld [tilespmem:s21+$0x5080]  }
0x3a: {  	v2 =	vld [tilespmem:s21+$0x5000];
	_ =	sdelay $0x1  }
0x3b: {  	v3 =	vld [tilespmem:s21+$0x5100];
	_ =	sdelay $0x1  }
0x3c: {  	v4 =	vld [tilespmem:s21+$0x5180]  }
0x3d: {  	v1 =	vadd.f32 v1, v2  }
0x3e: {  	v2 =	vld [tilespmem:s21+$0x5200]  }
0x3f: {  	v1 =	vadd.f32 v3, v1  }
0x40: {  	v3 =	vld [tilespmem:s21+$0x5280]  }
0x41: {  	v1 =	vadd.f32 v4, v1  }
0x42: {  	v4 =	vld [tilespmem:s21+$0x5300]  }
0x43: {  	v1 =	vadd.f32 v2, v1  }
0x44: {  	v2 =	vld [tilespmem:s21+$0x5380]  }
0x45: {  	v1 =	vadd.f32 v3, v1;
	_ =	sdelay $0x1  }
.Ltmp1:
0x46: {  	v1 =	vadd.f32 v4, v1;
	(pc) =	sbr.rel @p0 .LBB2_4-.Ltmp1, $4  }
0x47: {  	_ = 	snop  }
0x48: {  	s19 =	sadd.s32 $0x80, s19;
	v1 =	vadd.f32 v2, v1  }
0x49: {  	s18 =	sadd.s32 $0x10, s18;
	s22 =	sand.u32 $0x1C00, s19;
	s21 =	sand.u32 $0x70, s20  }
0x4a: {  	s20 =	sadd.s32 $0x10, s20;
	s21 =	sor.u32 s21, s22;
	[tilespmem:s18+$0x0] =	vst v1  }
0x4b: {  	v1 =	vld [tilespmem:s21+$0x5080]  }
0x4c: {  	v2 =	vld [tilespmem:s21+$0x5000];
	_ =	sdelay $0x1  }
0x4d: {  	v3 =	vld [tilespmem:s21+$0x5100];
	_ =	sdelay $0x1  }
0x4e: {  	v4 =	vld [tilespmem:s21+$0x5180]  }
0x4f: {  	v1 =	vadd.f32 v1, v2  }
0x50: {  	v2 =	vld [tilespmem:s21+$0x5200]  }
0x51: {  	v1 =	vadd.f32 v3, v1  }
0x52: {  	v3 =	vld [tilespmem:s21+$0x5280]  }
0x53: {  	v1 =	vadd.f32 v4, v1  }
0x54: {  	v61 =	vld [tilespmem:s21+$0x5300]  }
0x55: {  	v1 =	vadd.f32 v2, v1  }
0x56: {  	v2 =	vld [tilespmem:s21+$0x5380]  }
0x57: {  	v1 =	vadd.f32 v3, v1;
	_ =	sdelay $0x1  }
0x58: {  	v1 =	vadd.f32 v61, v1;
	_ =	sdelay $0x1  }
0x59: {  	v1 =	vadd.f32 v2, v1  }
0x5a: {  	s18 =	sadd.s32 $0x10, s18  }
0x5b: {  	[tilespmem:s18+$0x0] =	vst v1  }
0x5c: {  	[tilespmem:s14], [sflag:$0x1] =	stream.linear.gather [spmem:s7], $0x1400, $0x38;
	[tilespmem:$0x8E80] =	vst v63  }
0x5d: {  	s30 =	simm.s32 $0x0;
	_ =	swait.ge [sflag:s11], $0x1400  }
0x5e: {  	s19 =	sand.u32 $0x70, s30;
	s18 =	sand.u32 $0x1C00, s30;
	[sflag:s11] =	ssyncset.done $0x0  }
0x5f: {  	s18 =	sor.u32 s19, s18;
	[sflag:s11] =	ssyncadd.s32 $0xFFFFEC00  }
0x60: {  	v1 =	vld [tilespmem:s18+$0x5080]  }
0x61: {  	v2 =	vld [tilespmem:s18+$0x5000];
	_ =	sdelay $0x1  }
0x62: {  	v3 =	vld [tilespmem:s18+$0x5100];
	_ =	sdelay $0x1  }
0x63: {  	v62 =	vld [tilespmem:s18+$0x5180]  }
0x64: {  	v1 =	vadd.f32 v1, v2  }
0x65: {  	v2 =	vld [tilespmem:s18+$0x5200]  }
0x66: {  	v1 =	vadd.f32 v3, v1  }
0x67: {  	v3 =	vld [tilespmem:s18+$0x5280]  }
0x68: {  	v1 =	vadd.f32 v62, v1  }
0x69: {  	v63 =	vld [tilespmem:s18+$0x5300]  }
0x6a: {  	v1 =	vadd.f32 v2, v1  }
0x6b: {  	v2 =	vld [tilespmem:s18+$0x5380]  }
0x6c: {  	s18 =	simm.s32 $0x6400;
	v1 =	vadd.f32 v3, v1  }
0x6d: {  	v3 =	vld [tilespmem:s18+$0x0]  }
0x6e: {  	v1 =	vadd.f32 v63, v1;
	_ =	sdelay $0x1  }
0x6f: {  	v1 =	vadd.f32 v2, v1;
	_ =	sdelay $0x1  }
0x70: {  	s20 =	simm.s32 $0x10;
	s19 =	simm.s32 $0x80;
	v1 =	vadd.f32 v1, v3  }
0x71: {  	s20 =	sand.u32 $0x70, s20;
	s31 =	sand.u32 $0x1C00, s19  }
0x72: {  	s21 =	sor.u32 s20, s31;
	s20 =	simm.s32 $0x20;
	[tilespmem:s18+$0x0] =	vst v1  }
.LBB2_6:
0x73: {  	p0 =	sne.s32 s20, $0x270;
	v1 =	vld [tilespmem:s21+$0x5080]  }
0x74: {  	v2 =	vld [tilespmem:s21+$0x5000];
	_ =	sdelay $0x1  }
0x75: {  	v3 =	vld [tilespmem:s21+$0x5100];
	_ =	sdelay $0x1  }
0x76: {  	v4 =	vld [tilespmem:s21+$0x5180]  }
0x77: {  	v1 =	vadd.f32 v1, v2  }
0x78: {  	v2 =	vld [tilespmem:s21+$0x5200]  }
0x79: {  	v1 =	vadd.f32 v3, v1  }
0x7a: {  	v3 =	vld [tilespmem:s21+$0x5280]  }
0x7b: {  	v1 =	vadd.f32 v4, v1  }
0x7c: {  	v4 =	vld [tilespmem:s21+$0x5300]  }
0x7d: {  	v1 =	vadd.f32 v2, v1  }
0x7e: {  	v2 =	vld [tilespmem:s21+$0x5380]  }
0x7f: {  	s18 =	sadd.s32 $0x10, s18;
	v1 =	vadd.f32 v3, v1  }
0x80: {  	v3 =	vld [tilespmem:s18+$0x0]  }
0x81: {  	v1 =	vadd.f32 v4, v1;
	_ =	sdelay $0x1  }
.Ltmp2:
0x82: {  	v1 =	vadd.f32 v2, v1;
	(pc) =	sbr.rel @p0 .LBB2_6-.Ltmp2, $4  }
0x83: {  	_ = 	snop  }
0x84: {  	s19 =	sadd.s32 $0x80, s19;
	v1 =	vadd.f32 v1, v3  }
0x85: {  	s22 =	sand.u32 $0x1C00, s19;
	s21 =	sand.u32 $0x70, s20  }
0x86: {  	s20 =	sadd.s32 $0x10, s20;
	s21 =	sor.u32 s21, s22;
	[tilespmem:s18+$0x0] =	vst v1  }
0x87: {  	v1 =	vld [tilespmem:s21+$0x5080]  }
0x88: {  	v2 =	vld [tilespmem:s21+$0x5000];
	_ =	sdelay $0x1  }
0x89: {  	v3 =	vld [tilespmem:s21+$0x5100];
	_ =	sdelay $0x1  }
0x8a: {  	v4 =	vld [tilespmem:s21+$0x5180]  }
0x8b: {  	v1 =	vadd.f32 v1, v2  }
0x8c: {  	v2 =	vld [tilespmem:s21+$0x5200]  }
0x8d: {  	v1 =	vadd.f32 v3, v1  }
0x8e: {  	v3 =	vld [tilespmem:s21+$0x5280]  }
0x8f: {  	v1 =	vadd.f32 v4, v1  }
0x90: {  	v63 =	vld [tilespmem:s21+$0x5300]  }
0x91: {  	v1 =	vadd.f32 v2, v1  }
0x92: {  	v2 =	vld [tilespmem:s21+$0x5380]  }
0x93: {  	s18 =	sadd.s32 $0x10, s18;
	v1 =	vadd.f32 v3, v1  }
0x94: {  	v3 =	vld [tilespmem:s18+$0x0]  }
0x95: {  	v1 =	vadd.f32 v63, v1;
	_ =	sdelay $0x1  }
0x96: {  	v1 =	vadd.f32 v2, v1;
	_ =	sdelay $0x1  }
0x97: {  	s17 =	sadd.s32 $0x1, s17;
	v1 =	vadd.f32 v1, v3  }
0x98: {  	p0 =	sne.s32 s17, s9  }
.Ltmp3:
0x99: {  	[tilespmem:s18+$0x0] =	vst v1;
	(pc) =	sbr.rel @p0 .LBB2_1-.Ltmp3, $4  }
0x9a: {  	[hbm4b:s8+s12] =	stream.strided.scatter [tilespmem:s16], [sflag:$0x1], $0x280, s15, s12, $0x38;
	[tilespmem:$0x8E80] =	vst v63  }
0x9b: {  	_ =	swait.ge [sflag:s11], $0x280  }
0x9c: {  	[sflag:s11] =	ssyncset.done $0x0  }
0x9d: {  	[sflag:s11] =	ssyncadd.s32 $0xFFFFFD80  }
0x9e: {  	_ =	sfence.sel $0x180000  }
0x9f: {  	[bflag:$0x0] =	sbarrier.arrive $0xFFFF  }
0xa0: {  	p0 =	sne.s32 s0, $0x0;
	_ =	strace $0x90000047  }
0xa1: {  	s0 =	sadd.s32 @!p0 $0x100000, s1;
	[bflag:$0x2] =	sbarrier.arrive $0xFFFF  }
0xa2: {  	[sflag:s0] =	ssyncadd.tile.s32 @!p0 $0x1;
	_ =	shalt  }
.Lfunc_end2:
_tile_overlayer_lowered:
.L_overlay_start_2:
0xa3: {  	(tag) =	ssettag $0x2  }
0xa4: {  	s0 =	rddreg [dreg:$0x0];
	s2 =	stileid.u32  }
0xa5: {  	s1 =	rddreg [dreg:$0x1];
	p0 =	sne.s32 s2, $0x0  }
0xa6: {  	s3 =	rddreg [dreg:$0x2];
	[bflag:$0x3] =	sbarrier.arrive $0xFFFF;
	s2 =	simm.s32 @!p0 $0x1C01  }
0xa7: {  	[timem:s3], [sflag:s2] =	dma.local @!p0 [hbm:s0], s1  }
0xa8: {  	s0 =	simm.s32 @!p0 $0x1  }
0xa9: {  	_ =	swait.ge @!p0 [sflag:s0], s1  }
0xaa: {  	s1 =	ssub.s32 @!p0 $0x0, s1;
	[sflag:s0] =	ssyncset.done @!p0 $0x0  }
0xab: {  	[sflag:s0] =	ssyncadd.s32 @!p0 s1  }
0xac: {  	[bflag:$0x3] =	sbarrier.arrive $0xFFFF  }
0xad: {  	_ =	shalt  }

</sc_bundles>
